<compile_context>
chip_gen: v7x
topology: tpu7x:2x2x1
jax: 0.10.2.dev20260603
libtpu: 0.0.44.dev20260713+nightly
codegen_flags: <defaults>
</compile_context>

<pallas_src>
import functools

import jax
import jax.numpy as jnp
from jax import lax
from jax.experimental import pallas as pl
from jax.experimental.pallas import tpu as pltpu
from jax.experimental.pallas import tpu_sc as plsc

B_BLOCK = 4096
K_CHUNK = 512


def _prep_body(cb_ref, cba_ref):
    cb = cb_ref[...]
    csq = jnp.sum(cb * cb, axis=1, keepdims=True)
    hi = csq.astype(jnp.bfloat16)
    r1 = csq - hi.astype(jnp.float32)
    mid = r1.astype(jnp.bfloat16)
    lo = (r1 - mid.astype(jnp.float32)).astype(jnp.bfloat16)
    cba_ref[...] = jnp.concatenate(
        [cb.astype(jnp.bfloat16), hi, mid, lo], axis=1)


def _argmin_body(x_ref, cba_ref, codes_ref):
    bb = x_ref.shape[0]
    k_total = cba_ref.shape[0]
    n_chunks = k_total // K_CHUNK
    groups_per_chunk = K_CHUNK // 128

    ones3 = jnp.ones((bb, 3), jnp.bfloat16)
    xa = jnp.concatenate([(x_ref[...] * -2.0).astype(jnp.bfloat16), ones3],
                         axis=1)

    rm = jnp.full((bb, 128), jnp.inf, jnp.float32)
    ra = jnp.zeros((bb, 128), jnp.float32)
    for k in range(n_chunks):
        cb = cba_ref[k * K_CHUNK:(k + 1) * K_CHUNK, :]
        d = lax.dot_general(xa, cb, (((1,), (1,)), ((), ())),
                            preferred_element_type=jnp.float32)
        for j in range(groups_per_chunk):
            dj = d[:, j * 128:(j + 1) * 128]
            g = jnp.float32(k * groups_per_chunk + j)
            better = dj < rm
            rm = jnp.minimum(dj, rm)
            ra = jnp.where(better, g, ra)

    lane = lax.broadcasted_iota(jnp.int32, (bb, 128), 1).astype(jnp.float32)
    idx_lane = ra * 128.0 + lane
    loc = jnp.min(rm, axis=1, keepdims=True)
    cand = jnp.where(rm == loc, idx_lane, jnp.float32(2 * k_total * 128))
    codes_ref[...] = jnp.min(cand, axis=1, keepdims=True).astype(jnp.int32)


def _prep_codebook(codebook):
    k, d = codebook.shape
    return pl.pallas_call(
        _prep_body,
        out_shape=jax.ShapeDtypeStruct((k, d + 3), jnp.bfloat16),
    )(codebook)


def _compute_codes(x_BD, cba):
    b, d3 = x_BD.shape[0], cba.shape[1]
    k = cba.shape[0]
    codes2d = pl.pallas_call(
        _argmin_body,
        grid=(b // B_BLOCK,),
        in_specs=[
            pl.BlockSpec((B_BLOCK, d3 - 3), lambda i: (i, 0)),
            pl.BlockSpec((k, d3), lambda i: (0, 0)),
        ],
        out_specs=pl.BlockSpec((B_BLOCK, 1), lambda i: (i, 0)),
        out_shape=jax.ShapeDtypeStruct((b, 1), jnp.int32),
        compiler_params=pltpu.CompilerParams(
            dimension_semantics=("parallel",),
            fuse_transposed_lhs_in_matmul=True),
    )(x_BD, cba)
    return codes2d.reshape(b)


def _sc_gather(codebook, codes):
    b = codes.shape[0]
    k, d = codebook.shape
    info = plsc.get_sparse_core_info()
    nw = info.num_cores * info.num_subcores
    b_per_w = b // nw
    mesh = plsc.VectorSubcoreMesh(core_axis_name="c", subcore_axis_name="s")

    @functools.partial(
        pl.kernel,
        mesh=mesh,
        compiler_params=pltpu.CompilerParams(use_tc_tiling_on_sc=False),
        out_type=jax.ShapeDtypeStruct((b, d), jnp.float32),
        scratch_types=[
            pltpu.VMEM((b_per_w,), jnp.int32),
            pltpu.VMEM((b_per_w, d), jnp.float32),
            pltpu.SemaphoreType.DMA,
        ],
    )
    def gather_kernel(table_hbm, idx_hbm, out_hbm, idx_v, rows_v, sem):
        wid = lax.axis_index("s") * info.num_cores + lax.axis_index("c")
        base = wid * b_per_w
        pltpu.sync_copy(idx_hbm.at[pl.ds(base, b_per_w)], idx_v)
        pltpu.async_copy(table_hbm.at[idx_v], rows_v, sem).wait()
        pltpu.sync_copy(rows_v, out_hbm.at[pl.ds(base, b_per_w)])

    return gather_kernel(codebook, codes)


def kernel(x_BD, codebook):
    cba = _prep_codebook(codebook)
    codes = _compute_codes(x_BD, cba)
    quant_x = _sc_gather(codebook, codes)
    return (quant_x, codes)

# --- scband reference (transcript-rebuilt; emitter-appended) ---
"""Pipeline reference for scband-torch-single-vq-36215164240445 (READ-ONLY COPY).

The authoritative reference and input builder live on the scoring server;
editing this copy changes nothing except your own understanding.
"""

import jax, jax.numpy as jnp
import numpy as np


def setup_inputs(seed: int = 0) -> dict:
    key = jax.random.key(seed)
    k1, k2 = jax.random.split(key)
    x_BD = jax.random.normal(k1, (32768, 32), dtype=jnp.float32)
    # learned parameter per init_kwargs: codebook_size_K=8192, features_d=32
    codebook = jax.random.uniform(k2, (8192, 32), dtype=jnp.float32)
    return {"x_BD": x_BD, "codebook": codebook}


def reference(x_BD, codebook):
    # TorchSingleVQ.quantize: encode via pairwise squared-euclidean distances,
    # argmin over codebook, then gather (decode) the selected centroids.
    # encode() chunks over MAX_ENCODE_BS purely for memory; math is identical done in one shot.
    x_sq_B1 = jnp.sum(x_BD * x_BD, axis=1, keepdims=True)
    c_sq_1K = jnp.sum(codebook * codebook, axis=1)[None, :]
    dists_BK = x_sq_B1 - 2.0 * (x_BD @ codebook.T) + c_sq_1K
    codes_B = jnp.argmin(dists_BK, axis=-1)
    quant_x_BD = jnp.take(codebook, codes_B, axis=0)
    return (quant_x_BD, codes_B)

if __name__ == "__main__":
    import jax
    _d = setup_inputs()
    print(jax.jit(kernel)(*tuple(_d.values())))

</pallas_src>

<mosaic_0001>
#map = affine_map<(d0, d1) -> (0, 0)>
#map1 = affine_map<(d0, d1) -> (0)>
module attributes {stable_mosaic.version = 14 : i64} {
  func.func @gather_kernel(%arg0: i32, %arg1: i32, %arg2: memref<8192x32xf32, #tpu.memory_space<hbm>>, %arg3: memref<32768xi32, #tpu.memory_space<hbm>>, %arg4: memref<32768x32xf32, #tpu.memory_space<hbm>>, %arg5: memref<1024xi32, #tpu.memory_space<vmem>>, %arg6: memref<1024x32xf32, #tpu.memory_space<vmem>>, %arg7: memref<!tpu.dma_semaphore, #tpu.memory_space<semaphore_mem>>) attributes {dimension_semantics = [#tpu.dimension_semantics<core_parallel>, #tpu.dimension_semantics<subcore_parallel>], iteration_bounds = array<i64: 2, 16>, scalar_prefetch = 0 : i64, scratch_operands = 3 : i64, tpu.core_type = #tpu.core_type<sc_vector_subcore>, window_params = [{transform_indices = #map}, {transform_indices = #map1}, {transform_indices = #map}]} {
    %mul3A = arith.constant 2 : i32
    %mul3A_0 = arith.muli %arg1, %mul3A : i32
    %add3A = arith.addi %mul3A_0, %arg0 : i32
    %mul3A_1 = arith.constant 1024 : i32
    %mul3A_2 = arith.muli %add3A, %mul3A_1 : i32
    "tpu.region"() ({
      %run_scoped3A = tpu.sem_alloc : memref<!tpu.dma_semaphore, #tpu.memory_space<semaphore_mem>>
      %dma_start3A_7 = tpu.memref_slice %arg3[%mul3A_2] : memref<32768xi32, #tpu.memory_space<hbm>> -> memref<1024xi32, #tpu.memory_space<hbm>>
      %dma_start3A_8 = tpu.memref_slice %arg3[%mul3A_2] : memref<32768xi32, #tpu.memory_space<hbm>> -> memref<1024xi32, #tpu.memory_space<hbm>>
      tpu.enqueue_dma source(%dma_start3A_8 : memref<1024xi32, #tpu.memory_space<hbm>>) target(%arg5 : memref<1024xi32, #tpu.memory_space<vmem>>) target_semaphore(%run_scoped3A : memref<!tpu.dma_semaphore, #tpu.memory_space<semaphore_mem>>)
      %dma_wait3A_9 = tpu.memref_slice %arg3[%mul3A_2] : memref<32768xi32, #tpu.memory_space<hbm>> -> memref<1024xi32, #tpu.memory_space<hbm>>
      %dma_wait3A_10 = tpu.memref_slice %arg3[%mul3A_2] : memref<32768xi32, #tpu.memory_space<hbm>> -> memref<1024xi32, #tpu.memory_space<hbm>>
      tpu.wait_dma2 semaphore(%run_scoped3A : memref<!tpu.dma_semaphore, #tpu.memory_space<semaphore_mem>>) src(%dma_wait3A_10 : memref<1024xi32, #tpu.memory_space<hbm>>) dst(%arg5 : memref<1024xi32, #tpu.memory_space<vmem>>)
      tpu.yield
    }) : () -> ()
    %dma_start3A = arith.constant 0 : i32
    %dma_start3A_3 = arith.constant 0 : i32
    %dma_start3A_4 = tpu.memref_slice %arg2[%dma_start3A, %dma_start3A_3] : memref<8192x32xf32, #tpu.memory_space<hbm>> -> memref<8192x32xf32, #tpu.memory_space<hbm>>
    tpu.enqueue_indirect_dma source(%dma_start3A_4 : memref<8192x32xf32, #tpu.memory_space<hbm>>) target(%arg6 : memref<1024x32xf32, #tpu.memory_space<vmem>>) offsets(%arg5 : memref<1024xi32, #tpu.memory_space<vmem>>) semaphore(%arg7 : memref<!tpu.dma_semaphore, #tpu.memory_space<semaphore_mem>>)
    %dma_wait3A = arith.constant 0 : i32
    %dma_wait3A_5 = arith.constant 0 : i32
    %dma_wait3A_6 = tpu.memref_slice %arg2[%dma_wait3A, %dma_wait3A_5] : memref<8192x32xf32, #tpu.memory_space<hbm>> -> memref<8192x32xf32, #tpu.memory_space<hbm>>
    tpu.wait_indirect_dma semaphore(%arg7 : memref<!tpu.dma_semaphore, #tpu.memory_space<semaphore_mem>>) src(%dma_wait3A_6 : memref<8192x32xf32, #tpu.memory_space<hbm>>) dst(%arg6 : memref<1024x32xf32, #tpu.memory_space<vmem>>)
    "tpu.region"() ({
      %run_scoped3A = tpu.sem_alloc : memref<!tpu.dma_semaphore, #tpu.memory_space<semaphore_mem>>
      %dma_start3A_7 = arith.constant 0 : i32
      %dma_start3A_8 = tpu.memref_slice %arg4[%mul3A_2, %dma_start3A_7] : memref<32768x32xf32, #tpu.memory_space<hbm>> -> memref<1024x32xf32, #tpu.memory_space<hbm>>
      %dma_start3A_9 = arith.constant 0 : i32
      %dma_start3A_10 = tpu.memref_slice %arg4[%mul3A_2, %dma_start3A_9] : memref<32768x32xf32, #tpu.memory_space<hbm>> -> memref<1024x32xf32, #tpu.memory_space<hbm>>
      tpu.enqueue_dma source(%arg6 : memref<1024x32xf32, #tpu.memory_space<vmem>>) target(%dma_start3A_10 : memref<1024x32xf32, #tpu.memory_space<hbm>>) target_semaphore(%run_scoped3A : memref<!tpu.dma_semaphore, #tpu.memory_space<semaphore_mem>>)
      %dma_wait3A_11 = arith.constant 0 : i32
      %dma_wait3A_12 = tpu.memref_slice %arg4[%mul3A_2, %dma_wait3A_11] : memref<32768x32xf32, #tpu.memory_space<hbm>> -> memref<1024x32xf32, #tpu.memory_space<hbm>>
      %dma_wait3A_13 = arith.constant 0 : i32
      %dma_wait3A_14 = tpu.memref_slice %arg4[%mul3A_2, %dma_wait3A_13] : memref<32768x32xf32, #tpu.memory_space<hbm>> -> memref<1024x32xf32, #tpu.memory_space<hbm>>
      tpu.wait_dma2 semaphore(%run_scoped3A : memref<!tpu.dma_semaphore, #tpu.memory_space<semaphore_mem>>) src(%arg6 : memref<1024x32xf32, #tpu.memory_space<vmem>>) dst(%dma_wait3A_14 : memref<1024x32xf32, #tpu.memory_space<hbm>>)
      tpu.yield
    }) : () -> ()
    return
  }
}

module attributes {stable_mosaic.version = 14 : i64} {
  func.func @_prep_body(%arg0: memref<8192x32xf32, #tpu.memory_space<vmem>>, %arg1: memref<8192x35xbf16, #tpu.memory_space<vmem>>) attributes {dimension_semantics = [], scalar_prefetch = 0 : i64, scratch_operands = 0 : i64, tpu.core_type = #tpu.core_type<tc>} {
    %get3A = arith.constant 0 : index
    %get3A_0 = arith.constant 0 : index
    %get3A_1 = vector.load %arg0[%get3A, %get3A_0] : memref<8192x32xf32, #tpu.memory_space<vmem>>, vector<8192x32xf32>
    %mul3A = arith.mulf %get3A_1, %get3A_1 : vector<8192x32xf32>
    %reduce_sum3A = arith.constant dense<0.000000e+00> : vector<8192xf32>
    %reduce_sum3A_2 = vector.multi_reduction <add>, %mul3A, %reduce_sum3A [1] : vector<8192x32xf32> to vector<8192xf32>
    %broadcast_in_dim3A = vector.shape_cast %reduce_sum3A_2 : vector<8192xf32> to vector<8192x1xf32>
    %convert_element_type3A = arith.truncf %broadcast_in_dim3A : vector<8192x1xf32> to vector<8192x1xbf16>
    %convert_element_type3A_3 = arith.extf %convert_element_type3A : vector<8192x1xbf16> to vector<8192x1xf32>
    %sub3A = arith.subf %broadcast_in_dim3A, %convert_element_type3A_3 : vector<8192x1xf32>
    %convert_element_type3A_4 = arith.truncf %sub3A : vector<8192x1xf32> to vector<8192x1xbf16>
    %convert_element_type3A_5 = arith.extf %convert_element_type3A_4 : vector<8192x1xbf16> to vector<8192x1xf32>
    %sub3A_6 = arith.subf %sub3A, %convert_element_type3A_5 : vector<8192x1xf32>
    %convert_element_type3A_7 = arith.truncf %sub3A_6 : vector<8192x1xf32> to vector<8192x1xbf16>
    %convert_element_type3A_8 = arith.truncf %get3A_1 : vector<8192x32xf32> to vector<8192x32xbf16>
    %concatenate3A = tpu.concatenate %convert_element_type3A_8, %convert_element_type3A, %convert_element_type3A_4, %convert_element_type3A_7 in 1 : vector<8192x32xbf16>, vector<8192x1xbf16>, vector<8192x1xbf16>, vector<8192x1xbf16> -> vector<8192x35xbf16>
    %swap3A = arith.constant 0 : index
    %swap3A_9 = arith.constant 0 : index
    %swap3A_10 = vector.load %arg1[%swap3A, %swap3A_9] : memref<8192x35xbf16, #tpu.memory_space<vmem>>, vector<8192x35xbf16>
    tpu.vector_store %arg1[%swap3A, %swap3A_9], %concatenate3A {strides = array<i32>} : memref<8192x35xbf16, #tpu.memory_space<vmem>>, vector<8192x35xbf16>,
    return
  }
}

module attributes {stable_mosaic.version = 14 : i64} {
  func.func @_argmin_body(%arg0: i32, %arg1: memref<4096x32xf32, #tpu.memory_space<vmem>>, %arg2: memref<8192x35xbf16, #tpu.memory_space<vmem>>, %arg3: memref<4096x1xi32, #tpu.memory_space<vmem>>) attributes {dimension_semantics = [#tpu.dimension_semantics<parallel>], iteration_bounds = array<i64: 8>, scalar_prefetch = 0 : i64, scratch_operands = 0 : i64, tpu.core_type = #tpu.core_type<tc>, window_params = [{transform_indices = @transform_0, window_bounds = array<i64: 4096, 32>}, {pipeline_mode = #tpu.pipeline_mode<synchronous>, transform_indices = @transform_1, window_bounds = array<i64: 8192, 35>}, {transform_indices = @transform_2, window_bounds = array<i64: 4096, 1>}]} {
    %broadcast_in_dim3A = arith.constant 1.000000e+00 : bf16
    %broadcast_in_dim3A_0 = vector.broadcast %broadcast_in_dim3A : bf16 to vector<4096x3xbf16>
    %get3A = arith.constant 0 : index
    %get3A_1 = arith.constant 0 : index
    %get3A_2 = vector.load %arg1[%get3A, %get3A_1] : memref<4096x32xf32, #tpu.memory_space<vmem>>, vector<4096x32xf32>
    %mul3A = arith.constant -2.000000e+00 : f32
    %mul3A_3 = vector.broadcast %mul3A : f32 to vector<4096x32xf32>
    %mul3A_4 = arith.mulf %get3A_2, %mul3A_3 : vector<4096x32xf32>
    %convert_element_type3A = arith.truncf %mul3A_4 : vector<4096x32xf32> to vector<4096x32xbf16>
    %concatenate3A = tpu.concatenate %convert_element_type3A, %broadcast_in_dim3A_0 in 1 : vector<4096x32xbf16>, vector<4096x3xbf16> -> vector<4096x35xbf16>
    %broadcast_in_dim3A_5 = arith.constant 0x7F800000 : f32
    %broadcast_in_dim3A_6 = vector.broadcast %broadcast_in_dim3A_5 : f32 to vector<4096x128xf32>
    %broadcast_in_dim3A_7 = arith.constant 0.000000e+00 : f32
    %broadcast_in_dim3A_8 = vector.broadcast %broadcast_in_dim3A_7 : f32 to vector<4096x128xf32>
    %get3A_9 = arith.constant 0 : index
    %get3A_10 = arith.constant 0 : index
    %get3A_11 = vector.load %arg2[%get3A_9, %get3A_10] : memref<8192x35xbf16, #tpu.memory_space<vmem>>, vector<512x35xbf16>
    %dot_general3A = arith.constant dense<0.000000e+00> : vector<4096x512xf32>
    %dot_general3A_12 = tpu.matmul %concatenate3A, %get3A_11, %dot_general3A {dimension_numbers = #tpu.dot_dimension_numbers<[1], [1], [0], [0], [0, 0, 1, 0], [], []>, transpose_lhs_hint = false} : vector<4096x35xbf16>, vector<512x35xbf16>, vector<4096x512xf32> -> vector<4096x512xf32>
    %slice3A = vector.extract_strided_slice %dot_general3A_12 {offsets = [0, 0], sizes = [4096, 128], strides = [1, 1]} : vector<4096x512xf32> to vector<4096x128xf32>
    %lt3A = arith.cmpf olt, %slice3A, %broadcast_in_dim3A_6 : vector<4096x128xf32>
    %min3A = arith.minimumf %slice3A, %broadcast_in_dim3A_6 : vector<4096x128xf32>
    %jit3A = arith.constant 0.000000e+00 : f32
    %broadcast_in_dim3A_13 = vector.broadcast %jit3A : f32 to vector<4096x128xf32>
    %select_n3A = arith.select %lt3A, %broadcast_in_dim3A_13, %broadcast_in_dim3A_8 : vector<4096x128xi1>, vector<4096x128xf32>
    %slice3A_14 = vector.extract_strided_slice %dot_general3A_12 {offsets = [0, 128], sizes = [4096, 128], strides = [1, 1]} : vector<4096x512xf32> to vector<4096x128xf32>
    %lt3A_15 = arith.cmpf olt, %slice3A_14, %min3A : vector<4096x128xf32>
    %min3A_16 = arith.minimumf %slice3A_14, %min3A : vector<4096x128xf32>
    %jit3A_17 = arith.constant 1.000000e+00 : f32
    %broadcast_in_dim3A_18 = vector.broadcast %jit3A_17 : f32 to vector<4096x128xf32>
    %select_n3A_19 = arith.select %lt3A_15, %broadcast_in_dim3A_18, %select_n3A : vector<4096x128xi1>, vector<4096x128xf32>
    %slice3A_20 = vector.extract_strided_slice %dot_general3A_12 {offsets = [0, 256], sizes = [4096, 128], strides = [1, 1]} : vector<4096x512xf32> to vector<4096x128xf32>
    %lt3A_21 = arith.cmpf olt, %slice3A_20, %min3A_16 : vector<4096x128xf32>
    %min3A_22 = arith.minimumf %slice3A_20, %min3A_16 : vector<4096x128xf32>
    %jit3A_23 = arith.constant 2.000000e+00 : f32
    %broadcast_in_dim3A_24 = vector.broadcast %jit3A_23 : f32 to vector<4096x128xf32>
    %select_n3A_25 = arith.select %lt3A_21, %broadcast_in_dim3A_24, %select_n3A_19 : vector<4096x128xi1>, vector<4096x128xf32>
    %slice3A_26 = vector.extract_strided_slice %dot_general3A_12 {offsets = [0, 384], sizes = [4096, 128], strides = [1, 1]} : vector<4096x512xf32> to vector<4096x128xf32>
    %lt3A_27 = arith.cmpf olt, %slice3A_26, %min3A_22 : vector<4096x128xf32>
    %min3A_28 = arith.minimumf %slice3A_26, %min3A_22 : vector<4096x128xf32>
    %jit3A_29 = arith.constant 3.000000e+00 : f32
    %broadcast_in_dim3A_30 = vector.broadcast %jit3A_29 : f32 to vector<4096x128xf32>
    %select_n3A_31 = arith.select %lt3A_27, %broadcast_in_dim3A_30, %select_n3A_25 : vector<4096x128xi1>, vector<4096x128xf32>
    %get3A_32 = arith.constant 512 : index
    %get3A_33 = arith.constant 0 : index
    %get3A_34 = vector.load %arg2[%get3A_32, %get3A_33] : memref<8192x35xbf16, #tpu.memory_space<vmem>>, vector<512x35xbf16>
    %dot_general3A_35 = arith.constant dense<0.000000e+00> : vector<4096x512xf32>
    %dot_general3A_36 = tpu.matmul %concatenate3A, %get3A_34, %dot_general3A_35 {dimension_numbers = #tpu.dot_dimension_numbers<[1], [1], [0], [0], [0, 0, 1, 0], [], []>, transpose_lhs_hint = false} : vector<4096x35xbf16>, vector<512x35xbf16>, vector<4096x512xf32> -> vector<4096x512xf32>
    %slice3A_37 = vector.extract_strided_slice %dot_general3A_36 {offsets = [0, 0], sizes = [4096, 128], strides = [1, 1]} : vector<4096x512xf32> to vector<4096x128xf32>
    %lt3A_38 = arith.cmpf olt, %slice3A_37, %min3A_28 : vector<4096x128xf32>
    %min3A_39 = arith.minimumf %slice3A_37, %min3A_28 : vector<4096x128xf32>
    %jit3A_40 = arith.constant 4.000000e+00 : f32
    %broadcast_in_dim3A_41 = vector.broadcast %jit3A_40 : f32 to vector<4096x128xf32>
    %select_n3A_42 = arith.select %lt3A_38, %broadcast_in_dim3A_41, %select_n3A_31 : vector<4096x128xi1>, vector<4096x128xf32>
    %slice3A_43 = vector.extract_strided_slice %dot_general3A_36 {offsets = [0, 128], sizes = [4096, 128], strides = [1, 1]} : vector<4096x512xf32> to vector<4096x128xf32>
    %lt3A_44 = arith.cmpf olt, %slice3A_43, %min3A_39 : vector<4096x128xf32>
    %min3A_45 = arith.minimumf %slice3A_43, %min3A_39 : vector<4096x128xf32>
    %jit3A_46 = arith.constant 5.000000e+00 : f32
    %broadcast_in_dim3A_47 = vector.broadcast %jit3A_46 : f32 to vector<4096x128xf32>
    %select_n3A_48 = arith.select %lt3A_44, %broadcast_in_dim3A_47, %select_n3A_42 : vector<4096x128xi1>, vector<4096x128xf32>
    %slice3A_49 = vector.extract_strided_slice %dot_general3A_36 {offsets = [0, 256], sizes = [4096, 128], strides = [1, 1]} : vector<4096x512xf32> to vector<4096x128xf32>
    %lt3A_50 = arith.cmpf olt, %slice3A_49, %min3A_45 : vector<4096x128xf32>
    %min3A_51 = arith.minimumf %slice3A_49, %min3A_45 : vector<4096x128xf32>
    %jit3A_52 = arith.constant 6.000000e+00 : f32
    %broadcast_in_dim3A_53 = vector.broadcast %jit3A_52 : f32 to vector<4096x128xf32>
    %select_n3A_54 = arith.select %lt3A_50, %broadcast_in_dim3A_53, %select_n3A_48 : vector<4096x128xi1>, vector<4096x128xf32>
    %slice3A_55 = vector.extract_strided_slice %dot_general3A_36 {offsets = [0, 384], sizes = [4096, 128], strides = [1, 1]} : vector<4096x512xf32> to vector<4096x128xf32>
    %lt3A_56 = arith.cmpf olt, %slice3A_55, %min3A_51 : vector<4096x128xf32>
    %min3A_57 = arith.minimumf %slice3A_55, %min3A_51 : vector<4096x128xf32>
    %jit3A_58 = arith.constant 7.000000e+00 : f32
    %broadcast_in_dim3A_59 = vector.broadcast %jit3A_58 : f32 to vector<4096x128xf32>
    %select_n3A_60 = arith.select %lt3A_56, %broadcast_in_dim3A_59, %select_n3A_54 : vector<4096x128xi1>, vector<4096x128xf32>
    %get3A_61 = arith.constant 1024 : index
    %get3A_62 = arith.constant 0 : index
    %get3A_63 = vector.load %arg2[%get3A_61, %get3A_62] : memref<8192x35xbf16, #tpu.memory_space<vmem>>, vector<512x35xbf16>
    %dot_general3A_64 = arith.constant dense<0.000000e+00> : vector<4096x512xf32>
    %dot_general3A_65 = tpu.matmul %concatenate3A, %get3A_63, %dot_general3A_64 {dimension_numbers = #tpu.dot_dimension_numbers<[1], [1], [0], [0], [0, 0, 1, 0], [], []>, transpose_lhs_hint = false} : vector<4096x35xbf16>, vector<512x35xbf16>, vector<4096x512xf32> -> vector<4096x512xf32>
    %slice3A_66 = vector.extract_strided_slice %dot_general3A_65 {offsets = [0, 0], sizes = [4096, 128], strides = [1, 1]} : vector<4096x512xf32> to vector<4096x128xf32>
    %lt3A_67 = arith.cmpf olt, %slice3A_66, %min3A_57 : vector<4096x128xf32>
    %min3A_68 = arith.minimumf %slice3A_66, %min3A_57 : vector<4096x128xf32>
    %jit3A_69 = arith.constant 8.000000e+00 : f32
    %broadcast_in_dim3A_70 = vector.broadcast %jit3A_69 : f32 to vector<4096x128xf32>
    %select_n3A_71 = arith.select %lt3A_67, %broadcast_in_dim3A_70, %select_n3A_60 : vector<4096x128xi1>, vector<4096x128xf32>
    %slice3A_72 = vector.extract_strided_slice %dot_general3A_65 {offsets = [0, 128], sizes = [4096, 128], strides = [1, 1]} : vector<4096x512xf32> to vector<4096x128xf32>
    %lt3A_73 = arith.cmpf olt, %slice3A_72, %min3A_68 : vector<4096x128xf32>
    %min3A_74 = arith.minimumf %slice3A_72, %min3A_68 : vector<4096x128xf32>
    %jit3A_75 = arith.constant 9.000000e+00 : f32
    %broadcast_in_dim3A_76 = vector.broadcast %jit3A_75 : f32 to vector<4096x128xf32>
    %select_n3A_77 = arith.select %lt3A_73, %broadcast_in_dim3A_76, %select_n3A_71 : vector<4096x128xi1>, vector<4096x128xf32>
    %slice3A_78 = vector.extract_strided_slice %dot_general3A_65 {offsets = [0, 256], sizes = [4096, 128], strides = [1, 1]} : vector<4096x512xf32> to vector<4096x128xf32>
    %lt3A_79 = arith.cmpf olt, %slice3A_78, %min3A_74 : vector<4096x128xf32>
    %min3A_80 = arith.minimumf %slice3A_78, %min3A_74 : vector<4096x128xf32>
    %jit3A_81 = arith.constant 1.000000e+01 : f32
    %broadcast_in_dim3A_82 = vector.broadcast %jit3A_81 : f32 to vector<4096x128xf32>
    %select_n3A_83 = arith.select %lt3A_79, %broadcast_in_dim3A_82, %select_n3A_77 : vector<4096x128xi1>, vector<4096x128xf32>
    %slice3A_84 = vector.extract_strided_slice %dot_general3A_65 {offsets = [0, 384], sizes = [4096, 128], strides = [1, 1]} : vector<4096x512xf32> to vector<4096x128xf32>
    %lt3A_85 = arith.cmpf olt, %slice3A_84, %min3A_80 : vector<4096x128xf32>
    %min3A_86 = arith.minimumf %slice3A_84, %min3A_80 : vector<4096x128xf32>
    %jit3A_87 = arith.constant 1.100000e+01 : f32
    %broadcast_in_dim3A_88 = vector.broadcast %jit3A_87 : f32 to vector<4096x128xf32>
    %select_n3A_89 = arith.select %lt3A_85, %broadcast_in_dim3A_88, %select_n3A_83 : vector<4096x128xi1>, vector<4096x128xf32>
    %get3A_90 = arith.constant 1536 : index
    %get3A_91 = arith.constant 0 : index
    %get3A_92 = vector.load %arg2[%get3A_90, %get3A_91] : memref<8192x35xbf16, #tpu.memory_space<vmem>>, vector<512x35xbf16>
    %dot_general3A_93 = arith.constant dense<0.000000e+00> : vector<4096x512xf32>
    %dot_general3A_94 = tpu.matmul %concatenate3A, %get3A_92, %dot_general3A_93 {dimension_numbers = #tpu.dot_dimension_numbers<[1], [1], [0], [0], [0, 0, 1, 0], [], []>, transpose_lhs_hint = false} : vector<4096x35xbf16>, vector<512x35xbf16>, vector<4096x512xf32> -> vector<4096x512xf32>
    %slice3A_95 = vector.extract_strided_slice %dot_general3A_94 {offsets = [0, 0], sizes = [4096, 128], strides = [1, 1]} : vector<4096x512xf32> to vector<4096x128xf32>
    %lt3A_96 = arith.cmpf olt, %slice3A_95, %min3A_86 : vector<4096x128xf32>
    %min3A_97 = arith.minimumf %slice3A_95, %min3A_86 : vector<4096x128xf32>
    %jit3A_98 = arith.constant 1.200000e+01 : f32
    %broadcast_in_dim3A_99 = vector.broadcast %jit3A_98 : f32 to vector<4096x128xf32>
    %select_n3A_100 = arith.select %lt3A_96, %broadcast_in_dim3A_99, %select_n3A_89 : vector<4096x128xi1>, vector<4096x128xf32>
    %slice3A_101 = vector.extract_strided_slice %dot_general3A_94 {offsets = [0, 128], sizes = [4096, 128], strides = [1, 1]} : vector<4096x512xf32> to vector<4096x128xf32>
    %lt3A_102 = arith.cmpf olt, %slice3A_101, %min3A_97 : vector<4096x128xf32>
    %min3A_103 = arith.minimumf %slice3A_101, %min3A_97 : vector<4096x128xf32>
    %jit3A_104 = arith.constant 1.300000e+01 : f32
    %broadcast_in_dim3A_105 = vector.broadcast %jit3A_104 : f32 to vector<4096x128xf32>
    %select_n3A_106 = arith.select %lt3A_102, %broadcast_in_dim3A_105, %select_n3A_100 : vector<4096x128xi1>, vector<4096x128xf32>
    %slice3A_107 = vector.extract_strided_slice %dot_general3A_94 {offsets = [0, 256], sizes = [4096, 128], strides = [1, 1]} : vector<4096x512xf32> to vector<4096x128xf32>
    %lt3A_108 = arith.cmpf olt, %slice3A_107, %min3A_103 : vector<4096x128xf32>
    %min3A_109 = arith.minimumf %slice3A_107, %min3A_103 : vector<4096x128xf32>
    %jit3A_110 = arith.constant 1.400000e+01 : f32
    %broadcast_in_dim3A_111 = vector.broadcast %jit3A_110 : f32 to vector<4096x128xf32>
    %select_n3A_112 = arith.select %lt3A_108, %broadcast_in_dim3A_111, %select_n3A_106 : vector<4096x128xi1>, vector<4096x128xf32>
    %slice3A_113 = vector.extract_strided_slice %dot_general3A_94 {offsets = [0, 384], sizes = [4096, 128], strides = [1, 1]} : vector<4096x512xf32> to vector<4096x128xf32>
    %lt3A_114 = arith.cmpf olt, %slice3A_113, %min3A_109 : vector<4096x128xf32>
    %min3A_115 = arith.minimumf %slice3A_113, %min3A_109 : vector<4096x128xf32>
    %jit3A_116 = arith.constant 1.500000e+01 : f32
    %broadcast_in_dim3A_117 = vector.broadcast %jit3A_116 : f32 to vector<4096x128xf32>
    %select_n3A_118 = arith.select %lt3A_114, %broadcast_in_dim3A_117, %select_n3A_112 : vector<4096x128xi1>, vector<4096x128xf32>
    %get3A_119 = arith.constant 2048 : index
    %get3A_120 = arith.constant 0 : index
    %get3A_121 = vector.load %arg2[%get3A_119, %get3A_120] : memref<8192x35xbf16, #tpu.memory_space<vmem>>, vector<512x35xbf16>
    %dot_general3A_122 = arith.constant dense<0.000000e+00> : vector<4096x512xf32>
    %dot_general3A_123 = tpu.matmul %concatenate3A, %get3A_121, %dot_general3A_122 {dimension_numbers = #tpu.dot_dimension_numbers<[1], [1], [0], [0], [0, 0, 1, 0], [], []>, transpose_lhs_hint = false} : vector<4096x35xbf16>, vector<512x35xbf16>, vector<4096x512xf32> -> vector<4096x512xf32>
    %slice3A_124 = vector.extract_strided_slice %dot_general3A_123 {offsets = [0, 0], sizes = [4096, 128], strides = [1, 1]} : vector<4096x512xf32> to vector<4096x128xf32>
    %lt3A_125 = arith.cmpf olt, %slice3A_124, %min3A_115 : vector<4096x128xf32>
    %min3A_126 = arith.minimumf %slice3A_124, %min3A_115 : vector<4096x128xf32>
    %jit3A_127 = arith.constant 1.600000e+01 : f32
    %broadcast_in_dim3A_128 = vector.broadcast %jit3A_127 : f32 to vector<4096x128xf32>
    %select_n3A_129 = arith.select %lt3A_125, %broadcast_in_dim3A_128, %select_n3A_118 : vector<4096x128xi1>, vector<4096x128xf32>
    %slice3A_130 = vector.extract_strided_slice %dot_general3A_123 {offsets = [0, 128], sizes = [4096, 128], strides = [1, 1]} : vector<4096x512xf32> to vector<4096x128xf32>
    %lt3A_131 = arith.cmpf olt, %slice3A_130, %min3A_126 : vector<4096x128xf32>
    %min3A_132 = arith.minimumf %slice3A_130, %min3A_126 : vector<4096x128xf32>
    %jit3A_133 = arith.constant 1.700000e+01 : f32
    %broadcast_in_dim3A_134 = vector.broadcast %jit3A_133 : f32 to vector<4096x128xf32>
    %select_n3A_135 = arith.select %lt3A_131, %broadcast_in_dim3A_134, %select_n3A_129 : vector<4096x128xi1>, vector<4096x128xf32>
    %slice3A_136 = vector.extract_strided_slice %dot_general3A_123 {offsets = [0, 256], sizes = [4096, 128], strides = [1, 1]} : vector<4096x512xf32> to vector<4096x128xf32>
    %lt3A_137 = arith.cmpf olt, %slice3A_136, %min3A_132 : vector<4096x128xf32>
    %min3A_138 = arith.minimumf %slice3A_136, %min3A_132 : vector<4096x128xf32>
    %jit3A_139 = arith.constant 1.800000e+01 : f32
    %broadcast_in_dim3A_140 = vector.broadcast %jit3A_139 : f32 to vector<4096x128xf32>
    %select_n3A_141 = arith.select %lt3A_137, %broadcast_in_dim3A_140, %select_n3A_135 : vector<4096x128xi1>, vector<4096x128xf32>
    %slice3A_142 = vector.extract_strided_slice %dot_general3A_123 {offsets = [0, 384], sizes = [4096, 128], strides = [1, 1]} : vector<4096x512xf32> to vector<4096x128xf32>
    %lt3A_143 = arith.cmpf olt, %slice3A_142, %min3A_138 : vector<4096x128xf32>
    %min3A_144 = arith.minimumf %slice3A_142, %min3A_138 : vector<4096x128xf32>
    %jit3A_145 = arith.constant 1.900000e+01 : f32
    %broadcast_in_dim3A_146 = vector.broadcast %jit3A_145 : f32 to vector<4096x128xf32>
    %select_n3A_147 = arith.select %lt3A_143, %broadcast_in_dim3A_146, %select_n3A_141 : vector<4096x128xi1>, vector<4096x128xf32>
    %get3A_148 = arith.constant 2560 : index
    %get3A_149 = arith.constant 0 : index
    %get3A_150 = vector.load %arg2[%get3A_148, %get3A_149] : memref<8192x35xbf16, #tpu.memory_space<vmem>>, vector<512x35xbf16>
    %dot_general3A_151 = arith.constant dense<0.000000e+00> : vector<4096x512xf32>
    %dot_general3A_152 = tpu.matmul %concatenate3A, %get3A_150, %dot_general3A_151 {dimension_numbers = #tpu.dot_dimension_numbers<[1], [1], [0], [0], [0, 0, 1, 0], [], []>, transpose_lhs_hint = false} : vector<4096x35xbf16>, vector<512x35xbf16>, vector<4096x512xf32> -> vector<4096x512xf32>
    %slice3A_153 = vector.extract_strided_slice %dot_general3A_152 {offsets = [0, 0], sizes = [4096, 128], strides = [1, 1]} : vector<4096x512xf32> to vector<4096x128xf32>
    %lt3A_154 = arith.cmpf olt, %slice3A_153, %min3A_144 : vector<4096x128xf32>
    %min3A_155 = arith.minimumf %slice3A_153, %min3A_144 : vector<4096x128xf32>
    %jit3A_156 = arith.constant 2.000000e+01 : f32
    %broadcast_in_dim3A_157 = vector.broadcast %jit3A_156 : f32 to vector<4096x128xf32>
    %select_n3A_158 = arith.select %lt3A_154, %broadcast_in_dim3A_157, %select_n3A_147 : vector<4096x128xi1>, vector<4096x128xf32>
    %slice3A_159 = vector.extract_strided_slice %dot_general3A_152 {offsets = [0, 128], sizes = [4096, 128], strides = [1, 1]} : vector<4096x512xf32> to vector<4096x128xf32>
    %lt3A_160 = arith.cmpf olt, %slice3A_159, %min3A_155 : vector<4096x128xf32>
    %min3A_161 = arith.minimumf %slice3A_159, %min3A_155 : vector<4096x128xf32>
    %jit3A_162 = arith.constant 2.100000e+01 : f32
    %broadcast_in_dim3A_163 = vector.broadcast %jit3A_162 : f32 to vector<4096x128xf32>
    %select_n3A_164 = arith.select %lt3A_160, %broadcast_in_dim3A_163, %select_n3A_158 : vector<4096x128xi1>, vector<4096x128xf32>
    %slice3A_165 = vector.extract_strided_slice %dot_general3A_152 {offsets = [0, 256], sizes = [4096, 128], strides = [1, 1]} : vector<4096x512xf32> to vector<4096x128xf32>
    %lt3A_166 = arith.cmpf olt, %slice3A_165, %min3A_161 : vector<4096x128xf32>
    %min3A_167 = arith.minimumf %slice3A_165, %min3A_161 : vector<4096x128xf32>
    %jit3A_168 = arith.constant 2.200000e+01 : f32
    %broadcast_in_dim3A_169 = vector.broadcast %jit3A_168 : f32 to vector<4096x128xf32>
    %select_n3A_170 = arith.select %lt3A_166, %broadcast_in_dim3A_169, %select_n3A_164 : vector<4096x128xi1>, vector<4096x128xf32>
    %slice3A_171 = vector.extract_strided_slice %dot_general3A_152 {offsets = [0, 384], sizes = [4096, 128], strides = [1, 1]} : vector<4096x512xf32> to vector<4096x128xf32>
    %lt3A_172 = arith.cmpf olt, %slice3A_171, %min3A_167 : vector<4096x128xf32>
    %min3A_173 = arith.minimumf %slice3A_171, %min3A_167 : vector<4096x128xf32>
    %jit3A_174 = arith.constant 2.300000e+01 : f32
    %broadcast_in_dim3A_175 = vector.broadcast %jit3A_174 : f32 to vector<4096x128xf32>
    %select_n3A_176 = arith.select %lt3A_172, %broadcast_in_dim3A_175, %select_n3A_170 : vector<4096x128xi1>, vector<4096x128xf32>
    %get3A_177 = arith.constant 3072 : index
    %get3A_178 = arith.constant 0 : index
    %get3A_179 = vector.load %arg2[%get3A_177, %get3A_178] : memref<8192x35xbf16, #tpu.memory_space<vmem>>, vector<512x35xbf16>
    %dot_general3A_180 = arith.constant dense<0.000000e+00> : vector<4096x512xf32>
    %dot_general3A_181 = tpu.matmul %concatenate3A, %get3A_179, %dot_general3A_180 {dimension_numbers = #tpu.dot_dimension_numbers<[1], [1], [0], [0], [0, 0, 1, 0], [], []>, transpose_lhs_hint = false} : vector<4096x35xbf16>, vector<512x35xbf16>, vector<4096x512xf32> -> vector<4096x512xf32>
    %slice3A_182 = vector.extract_strided_slice %dot_general3A_181 {offsets = [0, 0], sizes = [4096, 128], strides = [1, 1]} : vector<4096x512xf32> to vector<4096x128xf32>
    %lt3A_183 = arith.cmpf olt, %slice3A_182, %min3A_173 : vector<4096x128xf32>
    %min3A_184 = arith.minimumf %slice3A_182, %min3A_173 : vector<4096x128xf32>
    %jit3A_185 = arith.constant 2.400000e+01 : f32
    %broadcast_in_dim3A_186 = vector.broadcast %jit3A_185 : f32 to vector<4096x128xf32>
    %select_n3A_187 = arith.select %lt3A_183, %broadcast_in_dim3A_186, %select_n3A_176 : vector<4096x128xi1>, vector<4096x128xf32>
    %slice3A_188 = vector.extract_strided_slice %dot_general3A_181 {offsets = [0, 128], sizes = [4096, 128], strides = [1, 1]} : vector<4096x512xf32> to vector<4096x128xf32>
    %lt3A_189 = arith.cmpf olt, %slice3A_188, %min3A_184 : vector<4096x128xf32>
    %min3A_190 = arith.minimumf %slice3A_188, %min3A_184 : vector<4096x128xf32>
    %jit3A_191 = arith.constant 2.500000e+01 : f32
    %broadcast_in_dim3A_192 = vector.broadcast %jit3A_191 : f32 to vector<4096x128xf32>
    %select_n3A_193 = arith.select %lt3A_189, %broadcast_in_dim3A_192, %select_n3A_187 : vector<4096x128xi1>, vector<4096x128xf32>
    %slice3A_194 = vector.extract_strided_slice %dot_general3A_181 {offsets = [0, 256], sizes = [4096, 128], strides = [1, 1]} : vector<4096x512xf32> to vector<4096x128xf32>
    %lt3A_195 = arith.cmpf olt, %slice3A_194, %min3A_190 : vector<4096x128xf32>
    %min3A_196 = arith.minimumf %slice3A_194, %min3A_190 : vector<4096x128xf32>
    %jit3A_197 = arith.constant 2.600000e+01 : f32
    %broadcast_in_dim3A_198 = vector.broadcast %jit3A_197 : f32 to vector<4096x128xf32>
    %select_n3A_199 = arith.select %lt3A_195, %broadcast_in_dim3A_198, %select_n3A_193 : vector<4096x128xi1>, vector<4096x128xf32>
    %slice3A_200 = vector.extract_strided_slice %dot_general3A_181 {offsets = [0, 384], sizes = [4096, 128], strides = [1, 1]} : vector<4096x512xf32> to vector<4096x128xf32>
    %lt3A_201 = arith.cmpf olt, %slice3A_200, %min3A_196 : vector<4096x128xf32>
    %min3A_202 = arith.minimumf %slice3A_200, %min3A_196 : vector<4096x128xf32>
    %jit3A_203 = arith.constant 2.700000e+01 : f32
    %broadcast_in_dim3A_204 = vector.broadcast %jit3A_203 : f32 to vector<4096x128xf32>
    %select_n3A_205 = arith.select %lt3A_201, %broadcast_in_dim3A_204, %select_n3A_199 : vector<4096x128xi1>, vector<4096x128xf32>
    %get3A_206 = arith.constant 3584 : index
    %get3A_207 = arith.constant 0 : index
    %get3A_208 = vector.load %arg2[%get3A_206, %get3A_207] : memref<8192x35xbf16, #tpu.memory_space<vmem>>, vector<512x35xbf16>
    %dot_general3A_209 = arith.constant dense<0.000000e+00> : vector<4096x512xf32>
    %dot_general3A_210 = tpu.matmul %concatenate3A, %get3A_208, %dot_general3A_209 {dimension_numbers = #tpu.dot_dimension_numbers<[1], [1], [0], [0], [0, 0, 1, 0], [], []>, transpose_lhs_hint = false} : vector<4096x35xbf16>, vector<512x35xbf16>, vector<4096x512xf32> -> vector<4096x512xf32>
    %slice3A_211 = vector.extract_strided_slice %dot_general3A_210 {offsets = [0, 0], sizes = [4096, 128], strides = [1, 1]} : vector<4096x512xf32> to vector<4096x128xf32>
    %lt3A_212 = arith.cmpf olt, %slice3A_211, %min3A_202 : vector<4096x128xf32>
    %min3A_213 = arith.minimumf %slice3A_211, %min3A_202 : vector<4096x128xf32>
    %jit3A_214 = arith.constant 2.800000e+01 : f32
    %broadcast_in_dim3A_215 = vector.broadcast %jit3A_214 : f32 to vector<4096x128xf32>
    %select_n3A_216 = arith.select %lt3A_212, %broadcast_in_dim3A_215, %select_n3A_205 : vector<4096x128xi1>, vector<4096x128xf32>
    %slice3A_217 = vector.extract_strided_slice %dot_general3A_210 {offsets = [0, 128], sizes = [4096, 128], strides = [1, 1]} : vector<4096x512xf32> to vector<4096x128xf32>
    %lt3A_218 = arith.cmpf olt, %slice3A_217, %min3A_213 : vector<4096x128xf32>
    %min3A_219 = arith.minimumf %slice3A_217, %min3A_213 : vector<4096x128xf32>
    %jit3A_220 = arith.constant 2.900000e+01 : f32
    %broadcast_in_dim3A_221 = vector.broadcast %jit3A_220 : f32 to vector<4096x128xf32>
    %select_n3A_222 = arith.select %lt3A_218, %broadcast_in_dim3A_221, %select_n3A_216 : vector<4096x128xi1>, vector<4096x128xf32>
    %slice3A_223 = vector.extract_strided_slice %dot_general3A_210 {offsets = [0, 256], sizes = [4096, 128], strides = [1, 1]} : vector<4096x512xf32> to vector<4096x128xf32>
    %lt3A_224 = arith.cmpf olt, %slice3A_223, %min3A_219 : vector<4096x128xf32>
    %min3A_225 = arith.minimumf %slice3A_223, %min3A_219 : vector<4096x128xf32>
    %jit3A_226 = arith.constant 3.000000e+01 : f32
    %broadcast_in_dim3A_227 = vector.broadcast %jit3A_226 : f32 to vector<4096x128xf32>
    %select_n3A_228 = arith.select %lt3A_224, %broadcast_in_dim3A_227, %select_n3A_222 : vector<4096x128xi1>, vector<4096x128xf32>
    %slice3A_229 = vector.extract_strided_slice %dot_general3A_210 {offsets = [0, 384], sizes = [4096, 128], strides = [1, 1]} : vector<4096x512xf32> to vector<4096x128xf32>
    %lt3A_230 = arith.cmpf olt, %slice3A_229, %min3A_225 : vector<4096x128xf32>
    %min3A_231 = arith.minimumf %slice3A_229, %min3A_225 : vector<4096x128xf32>
    %jit3A_232 = arith.constant 3.100000e+01 : f32
    %broadcast_in_dim3A_233 = vector.broadcast %jit3A_232 : f32 to vector<4096x128xf32>
    %select_n3A_234 = arith.select %lt3A_230, %broadcast_in_dim3A_233, %select_n3A_228 : vector<4096x128xi1>, vector<4096x128xf32>
    %get3A_235 = arith.constant 4096 : index
    %get3A_236 = arith.constant 0 : index
    %get3A_237 = vector.load %arg2[%get3A_235, %get3A_236] : memref<8192x35xbf16, #tpu.memory_space<vmem>>, vector<512x35xbf16>
    %dot_general3A_238 = arith.constant dense<0.000000e+00> : vector<4096x512xf32>
    %dot_general3A_239 = tpu.matmul %concatenate3A, %get3A_237, %dot_general3A_238 {dimension_numbers = #tpu.dot_dimension_numbers<[1], [1], [0], [0], [0, 0, 1, 0], [], []>, transpose_lhs_hint = false} : vector<4096x35xbf16>, vector<512x35xbf16>, vector<4096x512xf32> -> vector<4096x512xf32>
    %slice3A_240 = vector.extract_strided_slice %dot_general3A_239 {offsets = [0, 0], sizes = [4096, 128], strides = [1, 1]} : vector<4096x512xf32> to vector<4096x128xf32>
    %lt3A_241 = arith.cmpf olt, %slice3A_240, %min3A_231 : vector<4096x128xf32>
    %min3A_242 = arith.minimumf %slice3A_240, %min3A_231 : vector<4096x128xf32>
    %jit3A_243 = arith.constant 3.200000e+01 : f32
    %broadcast_in_dim3A_244 = vector.broadcast %jit3A_243 : f32 to vector<4096x128xf32>
    %select_n3A_245 = arith.select %lt3A_241, %broadcast_in_dim3A_244, %select_n3A_234 : vector<4096x128xi1>, vector<4096x128xf32>
    %slice3A_246 = vector.extract_strided_slice %dot_general3A_239 {offsets = [0, 128], sizes = [4096, 128], strides = [1, 1]} : vector<4096x512xf32> to vector<4096x128xf32>
    %lt3A_247 = arith.cmpf olt, %slice3A_246, %min3A_242 : vector<4096x128xf32>
    %min3A_248 = arith.minimumf %slice3A_246, %min3A_242 : vector<4096x128xf32>
    %jit3A_249 = arith.constant 3.300000e+01 : f32
    %broadcast_in_dim3A_250 = vector.broadcast %jit3A_249 : f32 to vector<4096x128xf32>
    %select_n3A_251 = arith.select %lt3A_247, %broadcast_in_dim3A_250, %select_n3A_245 : vector<4096x128xi1>, vector<4096x128xf32>
    %slice3A_252 = vector.extract_strided_slice %dot_general3A_239 {offsets = [0, 256], sizes = [4096, 128], strides = [1, 1]} : vector<4096x512xf32> to vector<4096x128xf32>
    %lt3A_253 = arith.cmpf olt, %slice3A_252, %min3A_248 : vector<4096x128xf32>
    %min3A_254 = arith.minimumf %slice3A_252, %min3A_248 : vector<4096x128xf32>
    %jit3A_255 = arith.constant 3.400000e+01 : f32
    %broadcast_in_dim3A_256 = vector.broadcast %jit3A_255 : f32 to vector<4096x128xf32>
    %select_n3A_257 = arith.select %lt3A_253, %broadcast_in_dim3A_256, %select_n3A_251 : vector<4096x128xi1>, vector<4096x128xf32>
    %slice3A_258 = vector.extract_strided_slice %dot_general3A_239 {offsets = [0, 384], sizes = [4096, 128], strides = [1, 1]} : vector<4096x512xf32> to vector<4096x128xf32>
    %lt3A_259 = arith.cmpf olt, %slice3A_258, %min3A_254 : vector<4096x128xf32>
    %min3A_260 = arith.minimumf %slice3A_258, %min3A_254 : vector<4096x128xf32>
    %jit3A_261 = arith.constant 3.500000e+01 : f32
    %broadcast_in_dim3A_262 = vector.broadcast %jit3A_261 : f32 to vector<4096x128xf32>
    %select_n3A_263 = arith.select %lt3A_259, %broadcast_in_dim3A_262, %select_n3A_257 : vector<4096x128xi1>, vector<4096x128xf32>
    %get3A_264 = arith.constant 4608 : index
    %get3A_265 = arith.constant 0 : index
    %get3A_266 = vector.load %arg2[%get3A_264, %get3A_265] : memref<8192x35xbf16, #tpu.memory_space<vmem>>, vector<512x35xbf16>
    %dot_general3A_267 = arith.constant dense<0.000000e+00> : vector<4096x512xf32>
    %dot_general3A_268 = tpu.matmul %concatenate3A, %get3A_266, %dot_general3A_267 {dimension_numbers = #tpu.dot_dimension_numbers<[1], [1], [0], [0], [0, 0, 1, 0], [], []>, transpose_lhs_hint = false} : vector<4096x35xbf16>, vector<512x35xbf16>, vector<4096x512xf32> -> vector<4096x512xf32>
    %slice3A_269 = vector.extract_strided_slice %dot_general3A_268 {offsets = [0, 0], sizes = [4096, 128], strides = [1, 1]} : vector<4096x512xf32> to vector<4096x128xf32>
    %lt3A_270 = arith.cmpf olt, %slice3A_269, %min3A_260 : vector<4096x128xf32>
    %min3A_271 = arith.minimumf %slice3A_269, %min3A_260 : vector<4096x128xf32>
    %jit3A_272 = arith.constant 3.600000e+01 : f32
    %broadcast_in_dim3A_273 = vector.broadcast %jit3A_272 : f32 to vector<4096x128xf32>
    %select_n3A_274 = arith.select %lt3A_270, %broadcast_in_dim3A_273, %select_n3A_263 : vector<4096x128xi1>, vector<4096x128xf32>
    %slice3A_275 = vector.extract_strided_slice %dot_general3A_268 {offsets = [0, 128], sizes = [4096, 128], strides = [1, 1]} : vector<4096x512xf32> to vector<4096x128xf32>
    %lt3A_276 = arith.cmpf olt, %slice3A_275, %min3A_271 : vector<4096x128xf32>
    %min3A_277 = arith.minimumf %slice3A_275, %min3A_271 : vector<4096x128xf32>
    %jit3A_278 = arith.constant 3.700000e+01 : f32
    %broadcast_in_dim3A_279 = vector.broadcast %jit3A_278 : f32 to vector<4096x128xf32>
    %select_n3A_280 = arith.select %lt3A_276, %broadcast_in_dim3A_279, %select_n3A_274 : vector<4096x128xi1>, vector<4096x128xf32>
    %slice3A_281 = vector.extract_strided_slice %dot_general3A_268 {offsets = [0, 256], sizes = [4096, 128], strides = [1, 1]} : vector<4096x512xf32> to vector<4096x128xf32>
    %lt3A_282 = arith.cmpf olt, %slice3A_281, %min3A_277 : vector<4096x128xf32>
    %min3A_283 = arith.minimumf %slice3A_281, %min3A_277 : vector<4096x128xf32>
    %jit3A_284 = arith.constant 3.800000e+01 : f32
    %broadcast_in_dim3A_285 = vector.broadcast %jit3A_284 : f32 to vector<4096x128xf32>
    %select_n3A_286 = arith.select %lt3A_282, %broadcast_in_dim3A_285, %select_n3A_280 : vector<4096x128xi1>, vector<4096x128xf32>
    %slice3A_287 = vector.extract_strided_slice %dot_general3A_268 {offsets = [0, 384], sizes = [4096, 128], strides = [1, 1]} : vector<4096x512xf32> to vector<4096x128xf32>
    %lt3A_288 = arith.cmpf olt, %slice3A_287, %min3A_283 : vector<4096x128xf32>
    %min3A_289 = arith.minimumf %slice3A_287, %min3A_283 : vector<4096x128xf32>
    %jit3A_290 = arith.constant 3.900000e+01 : f32
    %broadcast_in_dim3A_291 = vector.broadcast %jit3A_290 : f32 to vector<4096x128xf32>
    %select_n3A_292 = arith.select %lt3A_288, %broadcast_in_dim3A_291, %select_n3A_286 : vector<4096x128xi1>, vector<4096x128xf32>
    %get3A_293 = arith.constant 5120 : index
    %get3A_294 = arith.constant 0 : index
    %get3A_295 = vector.load %arg2[%get3A_293, %get3A_294] : memref<8192x35xbf16, #tpu.memory_space<vmem>>, vector<512x35xbf16>
    %dot_general3A_296 = arith.constant dense<0.000000e+00> : vector<4096x512xf32>
    %dot_general3A_297 = tpu.matmul %concatenate3A, %get3A_295, %dot_general3A_296 {dimension_numbers = #tpu.dot_dimension_numbers<[1], [1], [0], [0], [0, 0, 1, 0], [], []>, transpose_lhs_hint = false} : vector<4096x35xbf16>, vector<512x35xbf16>, vector<4096x512xf32> -> vector<4096x512xf32>
    %slice3A_298 = vector.extract_strided_slice %dot_general3A_297 {offsets = [0, 0], sizes = [4096, 128], strides = [1, 1]} : vector<4096x512xf32> to vector<4096x128xf32>
    %lt3A_299 = arith.cmpf olt, %slice3A_298, %min3A_289 : vector<4096x128xf32>
    %min3A_300 = arith.minimumf %slice3A_298, %min3A_289 : vector<4096x128xf32>
    %jit3A_301 = arith.constant 4.000000e+01 : f32
    %broadcast_in_dim3A_302 = vector.broadcast %jit3A_301 : f32 to vector<4096x128xf32>
    %select_n3A_303 = arith.select %lt3A_299, %broadcast_in_dim3A_302, %select_n3A_292 : vector<4096x128xi1>, vector<4096x128xf32>
    %slice3A_304 = vector.extract_strided_slice %dot_general3A_297 {offsets = [0, 128], sizes = [4096, 128], strides = [1, 1]} : vector<4096x512xf32> to vector<4096x128xf32>
    %lt3A_305 = arith.cmpf olt, %slice3A_304, %min3A_300 : vector<4096x128xf32>
    %min3A_306 = arith.minimumf %slice3A_304, %min3A_300 : vector<4096x128xf32>
    %jit3A_307 = arith.constant 4.100000e+01 : f32
    %broadcast_in_dim3A_308 = vector.broadcast %jit3A_307 : f32 to vector<4096x128xf32>
    %select_n3A_309 = arith.select %lt3A_305, %broadcast_in_dim3A_308, %select_n3A_303 : vector<4096x128xi1>, vector<4096x128xf32>
    %slice3A_310 = vector.extract_strided_slice %dot_general3A_297 {offsets = [0, 256], sizes = [4096, 128], strides = [1, 1]} : vector<4096x512xf32> to vector<4096x128xf32>
    %lt3A_311 = arith.cmpf olt, %slice3A_310, %min3A_306 : vector<4096x128xf32>
    %min3A_312 = arith.minimumf %slice3A_310, %min3A_306 : vector<4096x128xf32>
    %jit3A_313 = arith.constant 4.200000e+01 : f32
    %broadcast_in_dim3A_314 = vector.broadcast %jit3A_313 : f32 to vector<4096x128xf32>
    %select_n3A_315 = arith.select %lt3A_311, %broadcast_in_dim3A_314, %select_n3A_309 : vector<4096x128xi1>, vector<4096x128xf32>
    %slice3A_316 = vector.extract_strided_slice %dot_general3A_297 {offsets = [0, 384], sizes = [4096, 128], strides = [1, 1]} : vector<4096x512xf32> to vector<4096x128xf32>
    %lt3A_317 = arith.cmpf olt, %slice3A_316, %min3A_312 : vector<4096x128xf32>
    %min3A_318 = arith.minimumf %slice3A_316, %min3A_312 : vector<4096x128xf32>
    %jit3A_319 = arith.constant 4.300000e+01 : f32
    %broadcast_in_dim3A_320 = vector.broadcast %jit3A_319 : f32 to vector<4096x128xf32>
    %select_n3A_321 = arith.select %lt3A_317, %broadcast_in_dim3A_320, %select_n3A_315 : vector<4096x128xi1>, vector<4096x128xf32>
    %get3A_322 = arith.constant 5632 : index
    %get3A_323 = arith.constant 0 : index
    %get3A_324 = vector.load %arg2[%get3A_322, %get3A_323] : memref<8192x35xbf16, #tpu.memory_space<vmem>>, vector<512x35xbf16>
    %dot_general3A_325 = arith.constant dense<0.000000e+00> : vector<4096x512xf32>
    %dot_general3A_326 = tpu.matmul %concatenate3A, %get3A_324, %dot_general3A_325 {dimension_numbers = #tpu.dot_dimension_numbers<[1], [1], [0], [0], [0, 0, 1, 0], [], []>, transpose_lhs_hint = false} : vector<4096x35xbf16>, vector<512x35xbf16>, vector<4096x512xf32> -> vector<4096x512xf32>
    %slice3A_327 = vector.extract_strided_slice %dot_general3A_326 {offsets = [0, 0], sizes = [4096, 128], strides = [1, 1]} : vector<4096x512xf32> to vector<4096x128xf32>
    %lt3A_328 = arith.cmpf olt, %slice3A_327, %min3A_318 : vector<4096x128xf32>
    %min3A_329 = arith.minimumf %slice3A_327, %min3A_318 : vector<4096x128xf32>
    %jit3A_330 = arith.constant 4.400000e+01 : f32
    %broadcast_in_dim3A_331 = vector.broadcast %jit3A_330 : f32 to vector<4096x128xf32>
    %select_n3A_332 = arith.select %lt3A_328, %broadcast_in_dim3A_331, %select_n3A_321 : vector<4096x128xi1>, vector<4096x128xf32>
    %slice3A_333 = vector.extract_strided_slice %dot_general3A_326 {offsets = [0, 128], sizes = [4096, 128], strides = [1, 1]} : vector<4096x512xf32> to vector<4096x128xf32>
    %lt3A_334 = arith.cmpf olt, %slice3A_333, %min3A_329 : vector<4096x128xf32>
    %min3A_335 = arith.minimumf %slice3A_333, %min3A_329 : vector<4096x128xf32>
    %jit3A_336 = arith.constant 4.500000e+01 : f32
    %broadcast_in_dim3A_337 = vector.broadcast %jit3A_336 : f32 to vector<4096x128xf32>
    %select_n3A_338 = arith.select %lt3A_334, %broadcast_in_dim3A_337, %select_n3A_332 : vector<4096x128xi1>, vector<4096x128xf32>
    %slice3A_339 = vector.extract_strided_slice %dot_general3A_326 {offsets = [0, 256], sizes = [4096, 128], strides = [1, 1]} : vector<4096x512xf32> to vector<4096x128xf32>
    %lt3A_340 = arith.cmpf olt, %slice3A_339, %min3A_335 : vector<4096x128xf32>
    %min3A_341 = arith.minimumf %slice3A_339, %min3A_335 : vector<4096x128xf32>
    %jit3A_342 = arith.constant 4.600000e+01 : f32
    %broadcast_in_dim3A_343 = vector.broadcast %jit3A_342 : f32 to vector<4096x128xf32>
    %select_n3A_344 = arith.select %lt3A_340, %broadcast_in_dim3A_343, %select_n3A_338 : vector<4096x128xi1>, vector<4096x128xf32>
    %slice3A_345 = vector.extract_strided_slice %dot_general3A_326 {offsets = [0, 384], sizes = [4096, 128], strides = [1, 1]} : vector<4096x512xf32> to vector<4096x128xf32>
    %lt3A_346 = arith.cmpf olt, %slice3A_345, %min3A_341 : vector<4096x128xf32>
    %min3A_347 = arith.minimumf %slice3A_345, %min3A_341 : vector<4096x128xf32>
    %jit3A_348 = arith.constant 4.700000e+01 : f32
    %broadcast_in_dim3A_349 = vector.broadcast %jit3A_348 : f32 to vector<4096x128xf32>
    %select_n3A_350 = arith.select %lt3A_346, %broadcast_in_dim3A_349, %select_n3A_344 : vector<4096x128xi1>, vector<4096x128xf32>
    %get3A_351 = arith.constant 6144 : index
    %get3A_352 = arith.constant 0 : index
    %get3A_353 = vector.load %arg2[%get3A_351, %get3A_352] : memref<8192x35xbf16, #tpu.memory_space<vmem>>, vector<512x35xbf16>
    %dot_general3A_354 = arith.constant dense<0.000000e+00> : vector<4096x512xf32>
    %dot_general3A_355 = tpu.matmul %concatenate3A, %get3A_353, %dot_general3A_354 {dimension_numbers = #tpu.dot_dimension_numbers<[1], [1], [0], [0], [0, 0, 1, 0], [], []>, transpose_lhs_hint = false} : vector<4096x35xbf16>, vector<512x35xbf16>, vector<4096x512xf32> -> vector<4096x512xf32>
    %slice3A_356 = vector.extract_strided_slice %dot_general3A_355 {offsets = [0, 0], sizes = [4096, 128], strides = [1, 1]} : vector<4096x512xf32> to vector<4096x128xf32>
    %lt3A_357 = arith.cmpf olt, %slice3A_356, %min3A_347 : vector<4096x128xf32>
    %min3A_358 = arith.minimumf %slice3A_356, %min3A_347 : vector<4096x128xf32>
    %jit3A_359 = arith.constant 4.800000e+01 : f32
    %broadcast_in_dim3A_360 = vector.broadcast %jit3A_359 : f32 to vector<4096x128xf32>
    %select_n3A_361 = arith.select %lt3A_357, %broadcast_in_dim3A_360, %select_n3A_350 : vector<4096x128xi1>, vector<4096x128xf32>
    %slice3A_362 = vector.extract_strided_slice %dot_general3A_355 {offsets = [0, 128], sizes = [4096, 128], strides = [1, 1]} : vector<4096x512xf32> to vector<4096x128xf32>
    %lt3A_363 = arith.cmpf olt, %slice3A_362, %min3A_358 : vector<4096x128xf32>
    %min3A_364 = arith.minimumf %slice3A_362, %min3A_358 : vector<4096x128xf32>
    %jit3A_365 = arith.constant 4.900000e+01 : f32
    %broadcast_in_dim3A_366 = vector.broadcast %jit3A_365 : f32 to vector<4096x128xf32>
    %select_n3A_367 = arith.select %lt3A_363, %broadcast_in_dim3A_366, %select_n3A_361 : vector<4096x128xi1>, vector<4096x128xf32>
    %slice3A_368 = vector.extract_strided_slice %dot_general3A_355 {offsets = [0, 256], sizes = [4096, 128], strides = [1, 1]} : vector<4096x512xf32> to vector<4096x128xf32>
    %lt3A_369 = arith.cmpf olt, %slice3A_368, %min3A_364 : vector<4096x128xf32>
    %min3A_370 = arith.minimumf %slice3A_368, %min3A_364 : vector<4096x128xf32>
    %jit3A_371 = arith.constant 5.000000e+01 : f32
    %broadcast_in_dim3A_372 = vector.broadcast %jit3A_371 : f32 to vector<4096x128xf32>
    %select_n3A_373 = arith.select %lt3A_369, %broadcast_in_dim3A_372, %select_n3A_367 : vector<4096x128xi1>, vector<4096x128xf32>
    %slice3A_374 = vector.extract_strided_slice %dot_general3A_355 {offsets = [0, 384], sizes = [4096, 128], strides = [1, 1]} : vector<4096x512xf32> to vector<4096x128xf32>
    %lt3A_375 = arith.cmpf olt, %slice3A_374, %min3A_370 : vector<4096x128xf32>
    %min3A_376 = arith.minimumf %slice3A_374, %min3A_370 : vector<4096x128xf32>
    %jit3A_377 = arith.constant 5.100000e+01 : f32
    %broadcast_in_dim3A_378 = vector.broadcast %jit3A_377 : f32 to vector<4096x128xf32>
    %select_n3A_379 = arith.select %lt3A_375, %broadcast_in_dim3A_378, %select_n3A_373 : vector<4096x128xi1>, vector<4096x128xf32>
    %get3A_380 = arith.constant 6656 : index
    %get3A_381 = arith.constant 0 : index
    %get3A_382 = vector.load %arg2[%get3A_380, %get3A_381] : memref<8192x35xbf16, #tpu.memory_space<vmem>>, vector<512x35xbf16>
    %dot_general3A_383 = arith.constant dense<0.000000e+00> : vector<4096x512xf32>
    %dot_general3A_384 = tpu.matmul %concatenate3A, %get3A_382, %dot_general3A_383 {dimension_numbers = #tpu.dot_dimension_numbers<[1], [1], [0], [0], [0, 0, 1, 0], [], []>, transpose_lhs_hint = false} : vector<4096x35xbf16>, vector<512x35xbf16>, vector<4096x512xf32> -> vector<4096x512xf32>
    %slice3A_385 = vector.extract_strided_slice %dot_general3A_384 {offsets = [0, 0], sizes = [4096, 128], strides = [1, 1]} : vector<4096x512xf32> to vector<4096x128xf32>
    %lt3A_386 = arith.cmpf olt, %slice3A_385, %min3A_376 : vector<4096x128xf32>
    %min3A_387 = arith.minimumf %slice3A_385, %min3A_376 : vector<4096x128xf32>
    %jit3A_388 = arith.constant 5.200000e+01 : f32
    %broadcast_in_dim3A_389 = vector.broadcast %jit3A_388 : f32 to vector<4096x128xf32>
    %select_n3A_390 = arith.select %lt3A_386, %broadcast_in_dim3A_389, %select_n3A_379 : vector<4096x128xi1>, vector<4096x128xf32>
    %slice3A_391 = vector.extract_strided_slice %dot_general3A_384 {offsets = [0, 128], sizes = [4096, 128], strides = [1, 1]} : vector<4096x512xf32> to vector<4096x128xf32>
    %lt3A_392 = arith.cmpf olt, %slice3A_391, %min3A_387 : vector<4096x128xf32>
    %min3A_393 = arith.minimumf %slice3A_391, %min3A_387 : vector<4096x128xf32>
    %jit3A_394 = arith.constant 5.300000e+01 : f32
    %broadcast_in_dim3A_395 = vector.broadcast %jit3A_394 : f32 to vector<4096x128xf32>
    %select_n3A_396 = arith.select %lt3A_392, %broadcast_in_dim3A_395, %select_n3A_390 : vector<4096x128xi1>, vector<4096x128xf32>
    %slice3A_397 = vector.extract_strided_slice %dot_general3A_384 {offsets = [0, 256], sizes = [4096, 128], strides = [1, 1]} : vector<4096x512xf32> to vector<4096x128xf32>
    %lt3A_398 = arith.cmpf olt, %slice3A_397, %min3A_393 : vector<4096x128xf32>
    %min3A_399 = arith.minimumf %slice3A_397, %min3A_393 : vector<4096x128xf32>
    %jit3A_400 = arith.constant 5.400000e+01 : f32
    %broadcast_in_dim3A_401 = vector.broadcast %jit3A_400 : f32 to vector<4096x128xf32>
    %select_n3A_402 = arith.select %lt3A_398, %broadcast_in_dim3A_401, %select_n3A_396 : vector<4096x128xi1>, vector<4096x128xf32>
    %slice3A_403 = vector.extract_strided_slice %dot_general3A_384 {offsets = [0, 384], sizes = [4096, 128], strides = [1, 1]} : vector<4096x512xf32> to vector<4096x128xf32>
    %lt3A_404 = arith.cmpf olt, %slice3A_403, %min3A_399 : vector<4096x128xf32>
    %min3A_405 = arith.minimumf %slice3A_403, %min3A_399 : vector<4096x128xf32>
    %jit3A_406 = arith.constant 5.500000e+01 : f32
    %broadcast_in_dim3A_407 = vector.broadcast %jit3A_406 : f32 to vector<4096x128xf32>
    %select_n3A_408 = arith.select %lt3A_404, %broadcast_in_dim3A_407, %select_n3A_402 : vector<4096x128xi1>, vector<4096x128xf32>
    %get3A_409 = arith.constant 7168 : index
    %get3A_410 = arith.constant 0 : index
    %get3A_411 = vector.load %arg2[%get3A_409, %get3A_410] : memref<8192x35xbf16, #tpu.memory_space<vmem>>, vector<512x35xbf16>
    %dot_general3A_412 = arith.constant dense<0.000000e+00> : vector<4096x512xf32>
    %dot_general3A_413 = tpu.matmul %concatenate3A, %get3A_411, %dot_general3A_412 {dimension_numbers = #tpu.dot_dimension_numbers<[1], [1], [0], [0], [0, 0, 1, 0], [], []>, transpose_lhs_hint = false} : vector<4096x35xbf16>, vector<512x35xbf16>, vector<4096x512xf32> -> vector<4096x512xf32>
    %slice3A_414 = vector.extract_strided_slice %dot_general3A_413 {offsets = [0, 0], sizes = [4096, 128], strides = [1, 1]} : vector<4096x512xf32> to vector<4096x128xf32>
    %lt3A_415 = arith.cmpf olt, %slice3A_414, %min3A_405 : vector<4096x128xf32>
    %min3A_416 = arith.minimumf %slice3A_414, %min3A_405 : vector<4096x128xf32>
    %jit3A_417 = arith.constant 5.600000e+01 : f32
    %broadcast_in_dim3A_418 = vector.broadcast %jit3A_417 : f32 to vector<4096x128xf32>
    %select_n3A_419 = arith.select %lt3A_415, %broadcast_in_dim3A_418, %select_n3A_408 : vector<4096x128xi1>, vector<4096x128xf32>
    %slice3A_420 = vector.extract_strided_slice %dot_general3A_413 {offsets = [0, 128], sizes = [4096, 128], strides = [1, 1]} : vector<4096x512xf32> to vector<4096x128xf32>
    %lt3A_421 = arith.cmpf olt, %slice3A_420, %min3A_416 : vector<4096x128xf32>
    %min3A_422 = arith.minimumf %slice3A_420, %min3A_416 : vector<4096x128xf32>
    %jit3A_423 = arith.constant 5.700000e+01 : f32
    %broadcast_in_dim3A_424 = vector.broadcast %jit3A_423 : f32 to vector<4096x128xf32>
    %select_n3A_425 = arith.select %lt3A_421, %broadcast_in_dim3A_424, %select_n3A_419 : vector<4096x128xi1>, vector<4096x128xf32>
    %slice3A_426 = vector.extract_strided_slice %dot_general3A_413 {offsets = [0, 256], sizes = [4096, 128], strides = [1, 1]} : vector<4096x512xf32> to vector<4096x128xf32>
    %lt3A_427 = arith.cmpf olt, %slice3A_426, %min3A_422 : vector<4096x128xf32>
    %min3A_428 = arith.minimumf %slice3A_426, %min3A_422 : vector<4096x128xf32>
    %jit3A_429 = arith.constant 5.800000e+01 : f32
    %broadcast_in_dim3A_430 = vector.broadcast %jit3A_429 : f32 to vector<4096x128xf32>
    %select_n3A_431 = arith.select %lt3A_427, %broadcast_in_dim3A_430, %select_n3A_425 : vector<4096x128xi1>, vector<4096x128xf32>
    %slice3A_432 = vector.extract_strided_slice %dot_general3A_413 {offsets = [0, 384], sizes = [4096, 128], strides = [1, 1]} : vector<4096x512xf32> to vector<4096x128xf32>
    %lt3A_433 = arith.cmpf olt, %slice3A_432, %min3A_428 : vector<4096x128xf32>
    %min3A_434 = arith.minimumf %slice3A_432, %min3A_428 : vector<4096x128xf32>
    %jit3A_435 = arith.constant 5.900000e+01 : f32
    %broadcast_in_dim3A_436 = vector.broadcast %jit3A_435 : f32 to vector<4096x128xf32>
    %select_n3A_437 = arith.select %lt3A_433, %broadcast_in_dim3A_436, %select_n3A_431 : vector<4096x128xi1>, vector<4096x128xf32>
    %get3A_438 = arith.constant 7680 : index
    %get3A_439 = arith.constant 0 : index
    %get3A_440 = vector.load %arg2[%get3A_438, %get3A_439] : memref<8192x35xbf16, #tpu.memory_space<vmem>>, vector<512x35xbf16>
    %dot_general3A_441 = arith.constant dense<0.000000e+00> : vector<4096x512xf32>
    %dot_general3A_442 = tpu.matmul %concatenate3A, %get3A_440, %dot_general3A_441 {dimension_numbers = #tpu.dot_dimension_numbers<[1], [1], [0], [0], [0, 0, 1, 0], [], []>, transpose_lhs_hint = false} : vector<4096x35xbf16>, vector<512x35xbf16>, vector<4096x512xf32> -> vector<4096x512xf32>
    %slice3A_443 = vector.extract_strided_slice %dot_general3A_442 {offsets = [0, 0], sizes = [4096, 128], strides = [1, 1]} : vector<4096x512xf32> to vector<4096x128xf32>
    %lt3A_444 = arith.cmpf olt, %slice3A_443, %min3A_434 : vector<4096x128xf32>
    %min3A_445 = arith.minimumf %slice3A_443, %min3A_434 : vector<4096x128xf32>
    %jit3A_446 = arith.constant 6.000000e+01 : f32
    %broadcast_in_dim3A_447 = vector.broadcast %jit3A_446 : f32 to vector<4096x128xf32>
    %select_n3A_448 = arith.select %lt3A_444, %broadcast_in_dim3A_447, %select_n3A_437 : vector<4096x128xi1>, vector<4096x128xf32>
    %slice3A_449 = vector.extract_strided_slice %dot_general3A_442 {offsets = [0, 128], sizes = [4096, 128], strides = [1, 1]} : vector<4096x512xf32> to vector<4096x128xf32>
    %lt3A_450 = arith.cmpf olt, %slice3A_449, %min3A_445 : vector<4096x128xf32>
    %min3A_451 = arith.minimumf %slice3A_449, %min3A_445 : vector<4096x128xf32>
    %jit3A_452 = arith.constant 6.100000e+01 : f32
    %broadcast_in_dim3A_453 = vector.broadcast %jit3A_452 : f32 to vector<4096x128xf32>
    %select_n3A_454 = arith.select %lt3A_450, %broadcast_in_dim3A_453, %select_n3A_448 : vector<4096x128xi1>, vector<4096x128xf32>
    %slice3A_455 = vector.extract_strided_slice %dot_general3A_442 {offsets = [0, 256], sizes = [4096, 128], strides = [1, 1]} : vector<4096x512xf32> to vector<4096x128xf32>
    %lt3A_456 = arith.cmpf olt, %slice3A_455, %min3A_451 : vector<4096x128xf32>
    %min3A_457 = arith.minimumf %slice3A_455, %min3A_451 : vector<4096x128xf32>
    %jit3A_458 = arith.constant 6.200000e+01 : f32
    %broadcast_in_dim3A_459 = vector.broadcast %jit3A_458 : f32 to vector<4096x128xf32>
    %select_n3A_460 = arith.select %lt3A_456, %broadcast_in_dim3A_459, %select_n3A_454 : vector<4096x128xi1>, vector<4096x128xf32>
    %slice3A_461 = vector.extract_strided_slice %dot_general3A_442 {offsets = [0, 384], sizes = [4096, 128], strides = [1, 1]} : vector<4096x512xf32> to vector<4096x128xf32>
    %lt3A_462 = arith.cmpf olt, %slice3A_461, %min3A_457 : vector<4096x128xf32>
    %min3A_463 = arith.minimumf %slice3A_461, %min3A_457 : vector<4096x128xf32>
    %jit3A_464 = arith.constant 6.300000e+01 : f32
    %broadcast_in_dim3A_465 = vector.broadcast %jit3A_464 : f32 to vector<4096x128xf32>
    %select_n3A_466 = arith.select %lt3A_462, %broadcast_in_dim3A_465, %select_n3A_460 : vector<4096x128xi1>, vector<4096x128xf32>
    %iota3A = tpu.iota {dimensions = array<i32: 1>} : vector<4096x128xi32>
    %convert_element_type3A_467 = arith.sitofp %iota3A : vector<4096x128xi32> to vector<4096x128xf32>
    %mul3A_468 = arith.constant 1.280000e+02 : f32
    %mul3A_469 = vector.broadcast %mul3A_468 : f32 to vector<4096x128xf32>
    %mul3A_470 = arith.mulf %select_n3A_466, %mul3A_469 : vector<4096x128xf32>
    %add3A = arith.addf %mul3A_470, %convert_element_type3A_467 : vector<4096x128xf32>
    %reduce_min3A = arith.constant dense<0x7F800000> : vector<4096xf32>
    %reduce_min3A_471 = vector.multi_reduction <minimumf>, %min3A_463, %reduce_min3A [1] : vector<4096x128xf32> to vector<4096xf32>
    %broadcast_in_dim3A_472 = vector.shape_cast %reduce_min3A_471 : vector<4096xf32> to vector<4096x1xf32>
    %eq3A = vector.broadcast %broadcast_in_dim3A_472 : vector<4096x1xf32> to vector<4096x128xf32>
    %eq3A_473 = arith.cmpf oeq, %min3A_463, %eq3A : vector<4096x128xf32>
    %jit3A_474 = arith.constant 0x4A000000 : f32
    %broadcast_in_dim3A_475 = vector.broadcast %jit3A_474 : f32 to vector<4096x128xf32>
    %select_n3A_476 = arith.select %eq3A_473, %add3A, %broadcast_in_dim3A_475 : vector<4096x128xi1>, vector<4096x128xf32>
    %reduce_min3A_477 = arith.constant dense<0x7F800000> : vector<4096xf32>
    %reduce_min3A_478 = vector.multi_reduction <minimumf>, %select_n3A_476, %reduce_min3A_477 [1] : vector<4096x128xf32> to vector<4096xf32>
    %broadcast_in_dim3A_479 = vector.shape_cast %reduce_min3A_478 : vector<4096xf32> to vector<4096x1xf32>
    %convert_element_type3A_480 = arith.fptosi %broadcast_in_dim3A_479 : vector<4096x1xf32> to vector<4096x1xi32>
    %swap3A = arith.constant 0 : index
    %swap3A_481 = arith.constant 0 : index
    %swap3A_482 = vector.load %arg3[%swap3A, %swap3A_481] : memref<4096x1xi32, #tpu.memory_space<vmem>>, vector<4096x1xi32>
    tpu.vector_store %arg3[%swap3A, %swap3A_481], %convert_element_type3A_480 {strides = array<i32>} : memref<4096x1xi32, #tpu.memory_space<vmem>>, vector<4096x1xi32>,
    return
  }
  func.func @transform_0(%arg0: i32) -> (i32, i32) {
    %c0_i32 = arith.constant 0 : i32
    %c0_i32_0 = arith.constant 0 : i32
    return %arg0, %c0_i32 : i32, i32
  }
  func.func @transform_1(%arg0: i32) -> (i32, i32) {
    %c0_i32 = arith.constant 0 : i32
    %c0_i32_0 = arith.constant 0 : i32
    %c0_i32_1 = arith.constant 0 : i32
    return %c0_i32, %c0_i32_0 : i32, i32
  }
  func.func @transform_2(%arg0: i32) -> (i32, i32) {
    %c0_i32 = arith.constant 0 : i32
    %c0_i32_0 = arith.constant 0 : i32
    return %arg0, %c0_i32 : i32, i32
  }
}

</mosaic_0001>

<sc_bundles>
// kernel: kernel.5.cloned.1.call-start
scs
__scs_entry_jumppad:
0x0: {  	(pc) =	sbr.rel $0x88, $3  }
0x1: {  	(tag) =	ssettag $0x0;
	lr =	simm.s32 $0x1  }
0x2: {  	[smem:$0x3F9F] =	sst lr;
	_ =	strace $0xD0000000  }
0x3: {  	_ = 	snop  }
0x4: {  	_ = 	snop  }
0x5: {  	_ = 	snop  }
0x6: {  	_ = 	snop  }
0x7: {  	_ = 	snop  }
__scs_overlays_trampoline_lowered:
0x8: {  	[smem:$0x3FAE] =	sst s0  }
0x9: {  	[smem:$0x3FAF] =	sst s1  }
0xa: {  	[smem:$0x3FB0] =	sst s2  }
0xb: {  	[smem:$0x3FB1] =	sst s3  }
0xc: {  	[smem:$0x3FB2] =	sst s4  }
0xd: {  	[smem:$0x3FB3] =	sst s5  }
0xe: {  	[smem:$0x3FB4] =	sst s6  }
0xf: {  	[smem:$0x3FB5] =	sst s7  }
0x10: {  	[smem:$0x3FB6] =	sst s8  }
0x11: {  	[smem:$0x3FB7] =	sst s9;
	s0 =	simm.s32 @!p0 $0x0  }
0x12: {  	s1 =	sld [smem:$0x3F9D];
	s0 =	simm.s32 @p0 $0x1  }
0x13: {  	[smem:$0x3FB8] =	sst s0;
	s0 =	simm.s32 @!p1 $0x0  }
0x14: {  	s2 =	sld [smem:$0x3F9C];
	s0 =	simm.s32 @p1 $0x1  }
0x15: {  	[smem:$0x3FB9] =	sst s0;
	s0 =	simm.s32 @!p2 $0x0  }
0x16: {  	s3 =	sld [smem:$0x3FDB];
	s0 =	simm.s32 @p2 $0x1  }
0x17: {  	s4 =	simm.s32 $0x1BF5;
	[smem:$0x3FBB] =	sst s0  }
0x18: {  	s0 =	sld [smem:$0x3F9E];
	_ =	swait.ge [sflag:s4], $0x0  }
0x19: {  	s7 =	sld [smem:$0x3F9F]  }
0x1a: {  	s8 =	sadd.s32 $0xFFFFE003, lr  }
0x1b: {  	s9 =	sadd.s32 $0xFFFFFEF7, lr;
	s5 =	simm.s32 $0xFFFFFFFF;
	p2 =	slt.u32 s8, $0xFFFFF086  }
0x1c: {  	p1 =	slt.u32 s9, $0xF7A;
	s5 =	simm.s32 @!p2 $0x0  }
0x1d: {  	s5 =	simm.s32 @p1 $0x1;
	p0 =	seq.s32 s7, s2  }
0x1e: {  	s7 =	smul.u32 @!p0 $0xF7A, s2;
	p2 =	seq.s32 @!p0 s5, $0x0  }
0x1f: {  	s9 =	smul.u32 $0xF7A, s1;
	s8 =	simm.s32 @!p0 $0x1BF5;
	p2 =	por !p2, p0  }
0x20: {  	[sflag:s8] =	ssyncset.s32 @!p0 $0xFFFFF086;
	s6 =	sadd.s32 @!p0 s3, s7;
	s7 =	simm.s32 @!p0 $0x108  }
0x21: {  	s3 =	sadd.s32 s3, s9;
	s6 =	sadd.s32 @!p0 $0x88, s6;
	s7 =	simm.s32 @p2 $0x1082  }
0x22: {  	[simem:s7], [sflag:s8] =	dma.local @!p0 [hbm:s6], $0xF7A  }
0x23: {  	s9 =	sor.u32 $0xD0000000, s2;
	s6 =	simm.s32 $0x108;
	_ =	swait.ge @!p0 [sflag:s8], $0x0  }
0x24: {  	s3 =	sadd.s32 $0x88, s3;
	s6 =	simm.s32 @!p1 $0x1082;
	[sflag:s4] =	ssyncset.s32 $0xFFFFF086  }
0x25: {  	[simem:s6], [sflag:s4] =	dma.local [hbm:s3], $0xF7A  }
0x26: {  	[smem:$0x3F9F] =	sst s1;
	(tag) =	ssettag s2;
	_ =	strace s9  }
0x27: {  	s1 =	sld [smem:$0x3FAF]  }
0x28: {  	s2 =	sld [smem:$0x3FB0]  }
0x29: {  	s4 =	sld [smem:$0x3FB2]  }
0x2a: {  	p0 =	seq.s32 s5, $0x0;
	s5 =	sld [smem:$0x3FB3]  }
0x2b: {  	s6 =	sld [smem:$0x3FB4]  }
0x2c: {  	s7 =	sld [smem:$0x3FB5]  }
0x2d: {  	s3 =	simm.s32 $0x108;
	s8 =	sld [smem:$0x3FB6]  }
0x2e: {  	s3 =	simm.s32 @!p0 $0x1082;
	s9 =	sld [smem:$0x3FB7]  }
0x2f: {  	lr =	sadd.s32 s0, s3;
	s0 =	sld [smem:$0x3FAE]  }
0x30: {  	s3 =	sld [smem:$0x3FB1]  }
0x31: {  	[smem:$0x3FBA] =	sst s10  }
0x32: {  	s10 =	sld [smem:$0x3FB8];
	_ =	sdelay $0x3  }
0x33: {  	p0 =	seq.s32 s10, $0x1;
	s10 =	sld [smem:$0x3FBA];
	_ =	sdelay $0x3  }
0x34: {  	[smem:$0x3FBA] =	sst s10  }
0x35: {  	s10 =	sld [smem:$0x3FB9];
	_ =	sdelay $0x3  }
0x36: {  	p1 =	seq.s32 s10, $0x1;
	s10 =	sld [smem:$0x3FBA];
	_ =	sdelay $0x3  }
0x37: {  	[smem:$0x3FBA] =	sst s10  }
0x38: {  	s10 =	sld [smem:$0x3FBB]  }
0x39: {  	_ = 	snop;
	(pc) =	sbr.ind lr, $3  }
0x3a: {  	_ = 	snop  }
0x3b: {  	_ = 	snop  }
0x3c: {  	p2 =	seq.s32 s10, $0x1;
	s10 =	sld [smem:$0x3FBA]  }
0x3d: {  	_ =	shalt  }
0x3e: {  	_ =	shalt  }
0x3f: {  	_ =	shalt  }
0x40: {  	_ =	shalt  }
0x41: {  	_ =	shalt  }
0x42: {  	_ =	shalt  }
0x43: {  	_ =	shalt  }
0x44: {  	_ =	shalt  }
0x45: {  	_ =	shalt  }
0x46: {  	_ =	shalt  }
0x47: {  	_ =	shalt  }
0x48: {  	_ =	shalt  }
0x49: {  	_ =	shalt  }
0x4a: {  	_ =	shalt  }
0x4b: {  	_ =	shalt  }
0x4c: {  	_ =	shalt  }
0x4d: {  	_ =	shalt  }
0x4e: {  	_ =	shalt  }
0x4f: {  	_ =	shalt  }
0x50: {  	_ =	shalt  }
0x51: {  	_ =	shalt  }
0x52: {  	_ =	shalt  }
0x53: {  	_ =	shalt  }
0x54: {  	_ =	shalt  }
0x55: {  	_ =	shalt  }
0x56: {  	_ =	shalt  }
0x57: {  	_ =	shalt  }
0x58: {  	_ =	shalt  }
0x59: {  	_ =	shalt  }
0x5a: {  	_ =	shalt  }
0x5b: {  	_ =	shalt  }
0x5c: {  	_ =	shalt  }
0x5d: {  	_ =	shalt  }
0x5e: {  	_ =	shalt  }
0x5f: {  	_ =	shalt  }
0x60: {  	_ =	shalt  }
0x61: {  	_ =	shalt  }
0x62: {  	_ =	shalt  }
0x63: {  	_ =	shalt  }
0x64: {  	_ =	shalt  }
0x65: {  	_ =	shalt  }
0x66: {  	_ =	shalt  }
0x67: {  	_ =	shalt  }
0x68: {  	_ =	shalt  }
0x69: {  	_ =	shalt  }
0x6a: {  	_ =	shalt  }
0x6b: {  	_ =	shalt  }
0x6c: {  	_ =	shalt  }
0x6d: {  	_ =	shalt  }
0x6e: {  	_ =	shalt  }
0x6f: {  	_ =	shalt  }
0x70: {  	_ =	shalt  }
0x71: {  	_ =	shalt  }
0x72: {  	_ =	shalt  }
0x73: {  	_ =	shalt  }
0x74: {  	_ =	shalt  }
0x75: {  	_ =	shalt  }
0x76: {  	_ =	shalt  }
0x77: {  	_ =	shalt  }
0x78: {  	_ =	shalt  }
0x79: {  	_ =	shalt  }
0x7a: {  	_ =	shalt  }
0x7b: {  	_ =	shalt  }
0x7c: {  	_ =	shalt  }
0x7d: {  	_ =	shalt  }
0x7e: {  	_ =	shalt  }
0x7f: {  	_ =	shalt  }
0x80: {  	_ =	shalt  }
0x81: {  	_ =	shalt  }
0x82: {  	_ =	shalt  }
0x83: {  	_ =	shalt  }
0x84: {  	_ =	shalt  }
0x85: {  	_ =	shalt  }
0x86: {  	_ =	shalt  }
0x87: {  	_ =	shalt  }
.Lfunc_end0:
.L_simem_size_0:
called_computation_lowered:
.L_overlay_start_0:
0x88: {  	s2 =	sld [smem:$0x3FD9]  }
0x89: {  	s3 =	sld [smem:$0x3FFE];
	_ =	sdelay $0x1  }
0x8a: {  	s1 =	srdreg.scid  }
0x8b: {  	s0 =	sand.u32 $0x1, s1  }
0x8c: {  	s14 =	sshll.u32 s0, $0xA;
	s2 =	sadd.s32 s3, s2  }
0x8d: {  	s2 =	sadd.s32 s2, s14  }
0x8e: {  	[smem:$0x3FC6] =	sst s2  }
0x8f: {  	_ = 	snop  }
0x90: {  	s2 =	sld [smem:$0x3FD0];
	_ =	sdelay $0x2  }
0x91: {  	s15 =	simm.s32 $0xA;
	s4 =	simm.s32 $0x10  }
0x92: {  	[smem:s4], [sflag:s15] =	dma.local [hbm:s2], $0x1  }
0x93: {  	_ =	swait.eq [sflag:s15], $0x1  }
0x94: {  	[sflag:s15] =	ssyncset.done $0x0  }
0x95: {  	s16 =	sld [smem:$0x10];
	[sflag:s15] =	ssyncadd.s32 $0xFFFFFFFF  }
0x96: {  	s17 =	sld [smem:$0x11];
	(tm) =	ssettm $0x1  }
0x97: {  	s18 =	sld [smem:$0x3FFB];
	_ =	sdelay $0x3  }
0x98: {  	_ =	strace s18  }
0x99: {  	s4 =	sld [smem:$0x3FFC];
	_ =	sdelay $0x3  }
0x9a: {  	_ =	strace s4  }
0x9b: {  	s4 =	sld [smem:$0x3FFD];
	_ =	sdelay $0x3  }
0x9c: {  	_ =	strace s4  }
0x9d: {  	_ =	strace $0x8FFFFFFF  }
0x9e: {  	s19 =	sld [smem:$0x3FDB];
	_ =	sdelay $0x1  }
0x9f: {  	s5 =	simm.s32 $_scs_section_size  }
0xa0: {  	s6 =	simm.s32 $_size__tile_overlayer_lowered;
	s7 =	simm.s32 $_tile_overlayer_lowered  }
0xa1: {  	s22 =	simm.s32 $0x1BFF;
	s21 =	sshll.u32 s7, $0x1;
	s4 =	sadd.s32 s5, s19  }
0xa2: {  	s8 =	simm.s32 $0x0;
	s20 =	sshll.u32 s6, $0x1;
	s6 =	sadd.s32 s21, s4  }
0xa3: {  	[timem:s8], [sflag:s22] =	dma.local [hbm:s6], s20  }
0xa4: {  	_ =	swait.ge [sflag:s22], s20  }
0xa5: {  	s5 =	ssub.s32 $0x0, s20;
	[sflag:s22] =	ssyncset.done $0x0  }
0xa6: {  	[sflag:s22] =	ssyncadd.s32 s5;
	_ =	sdelay $0x1  }
0xa7: {  	s23 =	simm.s32 $0x1B8B  }
0xa8: {  	_ =	swait.ge [sflag:s23], $0x1  }
0xa9: {  	[sflag:s23] =	ssyncset.done $0x0  }
0xaa: {  	s25 =	simm.s32 $0x1B8E;
	s24 =	sld [smem:$0x3FFE];
	[sflag:s23] =	ssyncadd.s32 $0xFFFFFFFF  }
0xab: {  	s26 =	simm.s32 $execute0_lowered;
	[smem:$0x3FD2] =	sst s25  }
0xac: {  	s6 =	sshll.u32 s26, $0x1;
	_ =	strace $0x80000046;
	[dreg:$0x1] =	wrdreg $0xFFFFFFFF  }
0xad: {  	s28 =	simm.s32 $_size_execute0_lowered;
	s4 =	sadd.s32 s4, s6;
	[dreg:$0x0] =	wrdreg $0x0  }
0xae: {  	s6 =	sshll.u32 s28, $0x1;
	[dreg:$0x2] =	wrdreg s4  }
0xaf: {  	[dreg:$0x3] =	wrdreg s6  }
0xb0: {  	[dreg:$0x4] =	wrdreg $0xC0  }
0xb1: {  	_ =	task [dreg:s8], $0x5FFFF  }
0xb2: {  	[dreg:$0x1] =	wrdreg $0xFFFFFFFF  }
0xb3: {  	[dreg:$0x0] =	wrdreg $0x60  }
0xb4: {  	[dreg:$0x2] =	wrdreg s24  }
0xb5: {  	[dreg:$0x3] =	wrdreg s17  }
0xb6: {  	[dreg:$0x4] =	wrdreg s16  }
0xb7: {  	[dreg:$0x5] =	wrdreg $0x9  }
0xb8: {  	_ =	task.clear_ibuf [dreg:s8], $0x6FFFF;
	_ =	strace $0x90000046  }
0xb9: {  	s29 =	simm.s32 $0x9;
	_ =	strace $0x80000048  }
0xba: {  	_ =	swait.ge [sflag:s29], $0x1  }
0xbb: {  	[sflag:s29] =	ssyncadd.s32 $0xFFFFFFFF  }
0xbc: {  	_ =	strace $0x90000048  }
0xbd: {  	_ =	sfence  }
0xbe: {  	s30 =	sld [smem:$0x0];
	_ =	sdelay $0x2  }
0xbf: {  	s31 =	sshll.u32 s1, $0xD;
	s1 =	sshrl.u32 s1, $0x2  }
0xc0: {  	s3 =	sand.u32 $0x4000, s31;
	s1 =	sadd.s32 s1, s30  }
0xc1: {  	s0 =	sor.u32 s3, s0;
	s1 =	sshll.u32 s1, $0x11  }
0xc2: {  	s0 =	sor.u32 s1, s0  }
0xc3: {  	s0 =	sadd.s32 $0x8F2B, s0  }
0xc4: {  	[sflag:s0] =	ssyncadd.remote.s32 $0x1  }
0xc5: {  	_ =	sfence.sel $0xFFFF  }
0xc6: {  	[dreg:$0x0] =	wrdreg $0xFFFFFFFF;
	(pc) =	sbr.abs _section_cstart, $3  }
0xc7: {  	[dreg:$0x1] =	wrdreg $0xFFFFFFFF  }
0xc8: {  	_ =	task.clear_ibuf [dreg:s8], $0x2FFFF;
	_ =	strace $0x9FFFFFFF  }
0xc9: {  	(tm) =	ssettm $0x7FFFFFFF  }
tec
execute0_lowered:
.L_overlay_start_1:
0x0: {  	(tag) =	ssettag $0x1  }
0x1: {  	s5 =	rddreg [dreg:$0x0]  }
0x2: {  	s1 =	srdreg.scid;
	s3 =	rddreg [dreg:$0x1]  }
0x3: {  	s0 =	stileid.u32;
	s8 =	rddreg [dreg:$0x2];
	s6 =	sand.u32 $0x1, s1  }
0x4: {  	s2 =	simm.s32 $0x0;
	s4 =	sshll.u32 s0, $0xB;
	s7 =	sshll.u32 s6, $0xA  }
0x5: {  	[smem:$0x7FF] =	sst s2;
	s9 =	sor.u32 s7, s4  }
0x6: {  	s1 =	rddreg [dreg:$0x3];
	_ =	strace $0x80000047;
	s4 =	sshrl.u32 s9, $0x3  }
0x7: {  	s10 =	ssub.s32 $0x2, s6;
	s4 =	sadd.s32 s3, s4;
	s3 =	simm.s32 $0x2  }
0x8: {  	[tilespmem:s2], [sflag:$0x2] =	stream.linear.gather [hbm4b:s4+s2], $0x400, $0x38;
	[tilespmem:$0x8400] =	vst v63  }
0x9: {  	s5 =	sadd.s32 $0x200, s5;
	s11 =	sshrl.u32 s10, $0x1;
	_ =	swait.ge [sflag:s3], $0x400  }
0xa: {  	s6 =	simm.s32 $0x400;
	s10 =	ssub.s32 s10, s11;
	[sflag:s3] =	ssyncset.done $0x0  }
0xb: {  	s7 =	simm.s32 $0x1;
	s31 =	smax.u32 s10, $0x1;
	[sflag:s3] =	ssyncadd.s32 $0xFFFFFC00  }
0xc: {  	[tilespmem:s6], [sflag:$0x1] =	stream.indirect.gather [hbm4b:s5+s6], $0x20, s2, s6, $0xb8;
	[tilespmem:$0x8400] =	vst v63  }
0xd: {  	p0 =	sne.s32 s31, $0x1;
	_ =	swait.ge [sflag:s7], $0x8000  }
.Ltmp0:
0xe: {  	s9 =	sshll.u32 s9, $0x2;
	[sflag:s7] =	ssyncset.done $0x0;
	(pc) =	sbr.rel @!p0 .LBB2_2-.Ltmp0, $4  }
0xf: {  	s8 =	sadd.s32 s8, s9;
	[sflag:s7] =	ssyncadd.s32 $0xFFFF8000  }
0x10: {  	[hbm4b:s8+s2] =	stream.linear.scatter [tilespmem:s6], [sflag:$0x2], $0x8000, $0x38;
	[tilespmem:$0x8400] =	vst v63  }
0x11: {  	_ =	swait.ge [sflag:s3], $0x8000  }
0x12: {  	s9 =	sadd.s32 $0xFFFFFFFF, s31;
	[sflag:s3] =	ssyncset.done $0x0  }
.LBB2_1:
0x13: {  	p0 =	sne.s32 s9, $0x1;
	s9 =	sadd.s32 $0xFFFFFFFF, s9;
	[sflag:s3] =	ssyncadd.s32 $0xFFFF8000  }
0x14: {  	[tilespmem:s2], [sflag:$0x2] =	stream.linear.gather [hbm4b:s4+s2], $0x400, $0x38;
	[tilespmem:$0x8400] =	vst v63  }
0x15: {  	_ =	swait.ge [sflag:s3], $0x400  }
0x16: {  	[sflag:s3] =	ssyncset.done $0x0  }
0x17: {  	[sflag:s3] =	ssyncadd.s32 $0xFFFFFC00  }
0x18: {  	[tilespmem:s6], [sflag:$0x1] =	stream.indirect.gather [hbm4b:s5+s6], $0x20, s2, s6, $0xb8;
	[tilespmem:$0x8400] =	vst v63  }
0x19: {  	_ =	swait.ge [sflag:s7], $0x8000  }
.Ltmp1:
0x1a: {  	[sflag:s7] =	ssyncset.done $0x0;
	(pc) =	sbr.rel @p0 .LBB2_1-.Ltmp1, $4  }
0x1b: {  	[sflag:s7] =	ssyncadd.s32 $0xFFFF8000  }
0x1c: {  	[hbm4b:s8+s2] =	stream.linear.scatter [tilespmem:s6], [sflag:$0x2], $0x8000, $0x38;
	[tilespmem:$0x8400] =	vst v63  }
0x1d: {  	_ =	swait.ge [sflag:s3], $0x8000  }
0x1e: {  	[sflag:s3] =	ssyncset.done $0x0  }
.LBB2_2:
0x1f: {  	[sflag:s3] =	ssyncadd.s32 $0xFFFF8000  }
0x20: {  	_ =	sfence.sel $0x180000  }
0x21: {  	[bflag:$0x0] =	sbarrier.arrive $0xFFFF  }
0x22: {  	p0 =	sne.s32 s0, $0x0;
	_ =	strace $0x90000047  }
0x23: {  	s0 =	sadd.s32 @!p0 $0x100000, s1;
	[bflag:$0x2] =	sbarrier.arrive $0xFFFF  }
0x24: {  	[sflag:s0] =	ssyncadd.tile.s32 @!p0 $0x1;
	_ =	shalt  }
.Lfunc_end2:
_tile_overlayer_lowered:
.L_overlay_start_2:
0x25: {  	(tag) =	ssettag $0x2  }
0x26: {  	s0 =	rddreg [dreg:$0x0];
	s2 =	stileid.u32  }
0x27: {  	s1 =	rddreg [dreg:$0x1];
	p0 =	sne.s32 s2, $0x0  }
0x28: {  	s3 =	rddreg [dreg:$0x2];
	[bflag:$0x3] =	sbarrier.arrive $0xFFFF;
	s2 =	simm.s32 @!p0 $0x1C02  }
0x29: {  	[timem:s3], [sflag:s2] =	dma.local @!p0 [hbm:s0], s1  }
0x2a: {  	s0 =	simm.s32 @!p0 $0x2  }
0x2b: {  	_ =	swait.ge @!p0 [sflag:s0], s1  }
0x2c: {  	s1 =	ssub.s32 @!p0 $0x0, s1;
	[sflag:s0] =	ssyncset.done @!p0 $0x0  }
0x2d: {  	[sflag:s0] =	ssyncadd.s32 @!p0 s1  }
0x2e: {  	[bflag:$0x3] =	sbarrier.arrive $0xFFFF  }
0x2f: {  	_ =	shalt  }

</sc_bundles>
